<compile_context>
chip_gen: v7x
topology: tpu7x:2x2x1
jax: 0.10.2.dev20260603
libtpu: 0.0.44.dev20260713+nightly
codegen_flags: <defaults>
</compile_context>

<pallas_src>
import functools

import jax
import jax.numpy as jnp
from jax import lax
from jax.experimental import pallas as pl
from jax.experimental.pallas import tpu as pltpu
from jax.experimental.pallas import tpu_sc as plsc

N = 10000
E = 320000
F_IN = 128
H = 64

NC = 2
NS = 16
NW = NC * NS
CHUNK = 125
CPT = 80
TOT_CHUNKS = E // CHUNK
N_ACC = 10240
RPT = N_ACC // NS

_mesh = plsc.VectorSubcoreMesh(
    core_axis_name="c", subcore_axis_name="s", num_cores=NC, num_subcores=NS)
_sc_params = pltpu.CompilerParams(use_tc_tiling_on_sc=False)


@functools.partial(
    pl.kernel,
    out_type=jax.ShapeDtypeStruct((NC, N_ACC), jnp.float32),
    mesh=_mesh,
    compiler_params=_sc_params,
    scratch_types=[
        pltpu.VMEM((CPT, CHUNK), jnp.int32),
        pltpu.VMEM((128,), jnp.float32),
        pltpu.VMEM_SHARED((N_ACC,), jnp.float32),
    ],
)
def _sc_degree(edge_hbm, zeros_hbm, out_hbm, dst_v, ones_v, deg_tab):
    c = lax.axis_index("c")
    s = lax.axis_index("s")
    wid = c * NS + s
    pltpu.sync_copy(zeros_hbm.at[pl.ds(s * RPT, RPT)],
                    deg_tab.at[pl.ds(s * RPT, RPT)])
    pltpu.sync_copy(edge_hbm.at[1, pl.ds(wid * CPT, CPT)], dst_v)
    for i in range(8):
        ones_v[pl.ds(i * 16, 16)] = jnp.ones((16,), jnp.float32)
    plsc.subcore_barrier()

    def body(j, carry):
        pltpu.sync_copy(ones_v.at[pl.ds(0, CHUNK)],
                        deg_tab.at[dst_v.at[j]], add=True)
        return carry

    lax.fori_loop(0, CPT, body, 0)
    plsc.subcore_barrier()
    pltpu.sync_copy(deg_tab.at[pl.ds(s * RPT, RPT)],
                    out_hbm.at[c, pl.ds(s * RPT, RPT)])


NBUF = 8


@functools.partial(
    pl.kernel,
    out_type=jax.ShapeDtypeStruct((NC, N_ACC, H), jnp.float32),
    mesh=_mesh,
    compiler_params=_sc_params,
    scratch_types=[
        pltpu.VMEM((CPT, CHUNK), jnp.int32),
        pltpu.VMEM((CPT, CHUNK), jnp.int32),
        pltpu.VMEM((NBUF, CHUNK, H), jnp.float32),
        pltpu.VMEM_SHARED((N_ACC, H), jnp.float32),
    ] + [pltpu.SemaphoreType.DMA] * NBUF,
)
def _sc_edges(edge_hbm, g_hbm, zeros_hbm, out_hbm,
              src_v, dst_v, bufs, acc_tab, *sems):
    c = lax.axis_index("c")
    s = lax.axis_index("s")
    base = (c * NS + s) * CPT
    pltpu.sync_copy(edge_hbm.at[0, pl.ds(base, CPT)], src_v)
    pltpu.sync_copy(edge_hbm.at[1, pl.ds(base, CPT)], dst_v)
    pltpu.sync_copy(zeros_hbm.at[pl.ds(s * RPT, RPT)],
                    acc_tab.at[pl.ds(s * RPT, RPT)])
    plsc.subcore_barrier()

    def body(t, carry):
        j = t * NBUF
        descs = [pltpu.async_copy(g_hbm.at[src_v.at[j + b]],
                                  bufs.at[b], sems[b])
                 for b in range(NBUF)]
        for b in range(NBUF):
            descs[b].wait()
            pltpu.sync_copy(bufs.at[b],
                            acc_tab.at[dst_v.at[j + b]], add=True)
        return carry

    lax.fori_loop(0, CPT // NBUF, body, 0)
    plsc.subcore_barrier()
    pltpu.sync_copy(acc_tab.at[pl.ds(s * RPT, RPT)],
                    out_hbm.at[c, pl.ds(s * RPT, RPT)])


def _prescale_body(x_ref, wc_ref, deg_ref, g_ref, dinv_ref):
    deg = deg_ref[:, 0] + deg_ref[:, 1] + 1.0
    dinv = lax.rsqrt(deg)
    h = jnp.dot(x_ref[...], wc_ref[...], preferred_element_type=jnp.float32)
    g_ref[...] = h * dinv[:, None]
    dinv_ref[...] = dinv[:, None]


def _tc_prescale(x, wc, deg2):
    blk = 1000
    grid = (N // blk,)
    return pl.pallas_call(
        _prescale_body,
        grid=grid,
        in_specs=[
            pl.BlockSpec((blk, F_IN), lambda i: (i, 0)),
            pl.BlockSpec((F_IN, H), lambda i: (0, 0)),
            pl.BlockSpec((blk, 2), lambda i: (i, 0)),
        ],
        out_specs=[
            pl.BlockSpec((blk, H), lambda i: (i, 0)),
            pl.BlockSpec((blk, 1), lambda i: (i, 0)),
        ],
        out_shape=[
            jax.ShapeDtypeStruct((N, H), jnp.float32),
            jax.ShapeDtypeStruct((N, 1), jnp.float32),
        ],
    )(x, wc, deg2)


def _finish_body(acc_ref, g_ref, dinv_ref, bc_ref, w1_ref, b1_ref,
                 w2_ref, b2_ref, w3_ref, b3_ref, out_ref, sum_s):
    i = pl.program_id(0)
    a = acc_ref[0] + acc_ref[1] + g_ref[...]
    node = a * dinv_ref[...] + bc_ref[...]
    node = jnp.where(node > 0, node, 0.01 * node)
    h1 = jnp.maximum(
        jnp.dot(node, w1_ref[...], preferred_element_type=jnp.float32)
        + b1_ref[...], 0.0)
    h2 = jnp.maximum(
        jnp.dot(h1, w2_ref[...], preferred_element_type=jnp.float32)
        + b2_ref[...], 0.0)
    part = jnp.sum(h2, axis=0, keepdims=True)

    @pl.when(i == 0)
    def _():
        sum_s[...] = jnp.zeros_like(sum_s)

    sum_s[...] += part

    @pl.when(i == pl.num_programs(0) - 1)
    def _():
        m = sum_s[...] * (1.0 / N)
        z = jnp.dot(m, w3_ref[...], preferred_element_type=jnp.float32) \
            + b3_ref[...]
        out_ref[...] = jax.nn.sigmoid(z)


def _tc_finish(acc, g, dinv, bc, w1, b1, w2, b2, w3, b3):
    blk = 1000
    grid = (N // blk,)
    return pl.pallas_call(
        _finish_body,
        grid=grid,
        in_specs=[
            pl.BlockSpec((NC, blk, H), lambda i: (0, i, 0)),
            pl.BlockSpec((blk, H), lambda i: (i, 0)),
            pl.BlockSpec((blk, 1), lambda i: (i, 0)),
            pl.BlockSpec((1, H), lambda i: (0, 0)),
            pl.BlockSpec((H, H), lambda i: (0, 0)),
            pl.BlockSpec((1, H), lambda i: (0, 0)),
            pl.BlockSpec((H, H), lambda i: (0, 0)),
            pl.BlockSpec((1, H), lambda i: (0, 0)),
            pl.BlockSpec((H, 1), lambda i: (0, 0)),
            pl.BlockSpec((1, 1), lambda i: (0, 0)),
        ],
        out_specs=pl.BlockSpec((1, 1), lambda i: (0, 0)),
        out_shape=jax.ShapeDtypeStruct((1, 1), jnp.float32),
        scratch_shapes=[pltpu.VMEM((1, H), jnp.float32)],
    )(acc, g, dinv, bc, w1, b1, w2, b2, w3, b3)


def kernel(x, edge_index, Wc, bc, W1, b1, W2, b2, W3, b3):
    edge3 = edge_index.astype(jnp.int32).reshape(2, TOT_CHUNKS, CHUNK)

    zeros1 = jnp.zeros((N_ACC,), jnp.float32)
    zeros2 = jnp.zeros((N_ACC, H), jnp.float32)

    deg_part = _sc_degree(edge3, zeros1)
    deg2 = deg_part[:, :N].T
    g, dinv = _tc_prescale(x, Wc, deg2)
    acc = _sc_edges(edge3, g, zeros2)

    out = _tc_finish(acc, g, dinv,
                     bc.reshape(1, H), W1, b1.reshape(1, H),
                     W2, b2.reshape(1, H), W3, b3.reshape(1, 1))
    return out.reshape(1)

# --- scband reference (transcript-rebuilt; emitter-appended) ---
"""Pipeline reference for scband-simple-net-9096740733261 (READ-ONLY COPY).

The authoritative reference and input builder live on the scoring server;
editing this copy changes nothing except your own understanding.
"""

import jax, jax.numpy as jnp
import numpy as np

N = 10000
E = 320000
F_IN = 128
H = 64

def setup_inputs(seed: int = 0) -> dict:
    key = jax.random.key(seed)
    ks = jax.random.split(key, 12)
    x = jax.random.normal(ks[0], (N, F_IN), dtype=jnp.float32)
    edge_index = jax.random.randint(ks[1], (2, E), 0, N)
    Wc = jax.random.normal(ks[2], (F_IN, H), dtype=jnp.float32) * (1.0 / np.sqrt(F_IN))
    bc = jnp.zeros((H,), dtype=jnp.float32)
    W1 = jax.random.normal(ks[3], (H, H), dtype=jnp.float32) * (1.0 / np.sqrt(H))
    b1 = jnp.zeros((H,), dtype=jnp.float32)
    W2 = jax.random.normal(ks[4], (H, H), dtype=jnp.float32) * (1.0 / np.sqrt(H))
    b2 = jnp.zeros((H,), dtype=jnp.float32)
    W3 = jax.random.normal(ks[5], (H, 1), dtype=jnp.float32) * (1.0 / np.sqrt(H))
    b3 = jnp.zeros((1,), dtype=jnp.float32)
    return {"x": x, "edge_index": edge_index, "Wc": Wc, "bc": bc,
            "W1": W1, "b1": b1, "W2": W2, "b2": b2, "W3": W3, "b3": b3}

def _gcn_conv(x, edge_index, Wc, bc):
    n = x.shape[0]
    loop = jnp.arange(n)
    src = jnp.concatenate([edge_index[0], loop])
    dst = jnp.concatenate([edge_index[1], loop])
    deg = jnp.zeros((n,), dtype=jnp.float32).at[dst].add(1.0)
    dinv = jnp.where(deg > 0, deg ** -0.5, 0.0)
    norm = dinv[src] * dinv[dst]
    h = x @ Wc
    msg = jnp.take(h, src, axis=0) * norm[:, None]
    out = jnp.zeros((n, h.shape[1]), dtype=h.dtype).at[dst].add(msg)
    return out + bc

def reference(x, edge_index, Wc, bc, W1, b1, W2, b2, W3, b3):
    h = _gcn_conv(x, edge_index, Wc, bc)
    h = jax.nn.leaky_relu(h, negative_slope=0.01)
    # MLP([64, 64, 64, 1]): Linear+ReLU, Linear+ReLU, Linear
    h = jax.nn.relu(h @ W1 + b1)
    h = jax.nn.relu(h @ W2 + b2)
    h = h @ W3 + b3
    # non-Batch path: mean over node axis, then sigmoid
    h = jnp.mean(h, axis=0)
    return jax.nn.sigmoid(h)

if __name__ == "__main__":
    import jax
    _d = setup_inputs()
    print(jax.jit(kernel)(*tuple(_d.values())))

</pallas_src>

<mosaic_0001>
#map = affine_map<(d0, d1) -> (0, 0, 0)>
#map1 = affine_map<(d0, d1) -> (0)>
#map2 = affine_map<(d0, d1) -> (0, 0)>
module attributes {stable_mosaic.version = 14 : i64} {
  func.func @_sc_degree(%arg0: i32, %arg1: i32, %arg2: memref<2x2560x125xi32, #tpu.memory_space<hbm>>, %arg3: memref<10240xf32, #tpu.memory_space<hbm>>, %arg4: memref<2x10240xf32, #tpu.memory_space<hbm>>, %arg5: memref<80x125xi32, #tpu.memory_space<vmem>>, %arg6: memref<128xf32, #tpu.memory_space<vmem>>, %arg7: memref<10240xf32, #tpu.memory_space<vmem_shared>>) attributes {dimension_semantics = [#tpu.dimension_semantics<core_parallel>, #tpu.dimension_semantics<subcore_parallel>], iteration_bounds = array<i64: 2, 16>, scalar_prefetch = 0 : i64, scratch_operands = 3 : i64, tpu.core_type = #tpu.core_type<sc_vector_subcore>, window_params = [{transform_indices = #map}, {transform_indices = #map1}, {transform_indices = #map2}]} {
    %mul3A = arith.constant 16 : i32
    %mul3A_0 = arith.muli %arg0, %mul3A : i32
    %add3A = arith.addi %mul3A_0, %arg1 : i32
    %mul3A_1 = arith.constant 640 : i32
    %mul3A_2 = arith.muli %arg1, %mul3A_1 : i32
    %mul3A_3 = arith.constant 640 : i32
    %mul3A_4 = arith.muli %arg1, %mul3A_3 : i32
    "tpu.region"() ({
      %run_scoped3A_63 = tpu.sem_alloc : memref<!tpu.dma_semaphore, #tpu.memory_space<semaphore_mem>>
      %dma_start3A = tpu.memref_slice %arg7[%mul3A_4] : memref<10240xf32, #tpu.memory_space<vmem_shared>> -> memref<640xf32, #tpu.memory_space<vmem_shared>>
      %dma_start3A_64 = tpu.memref_slice %arg3[%mul3A_2] : memref<10240xf32, #tpu.memory_space<hbm>> -> memref<640xf32, #tpu.memory_space<hbm>>
      tpu.enqueue_dma source(%dma_start3A_64 : memref<640xf32, #tpu.memory_space<hbm>>) target(%dma_start3A : memref<640xf32, #tpu.memory_space<vmem_shared>>) target_semaphore(%run_scoped3A_63 : memref<!tpu.dma_semaphore, #tpu.memory_space<semaphore_mem>>)
      %dma_wait3A = tpu.memref_slice %arg7[%mul3A_4] : memref<10240xf32, #tpu.memory_space<vmem_shared>> -> memref<640xf32, #tpu.memory_space<vmem_shared>>
      %dma_wait3A_65 = tpu.memref_slice %arg3[%mul3A_2] : memref<10240xf32, #tpu.memory_space<hbm>> -> memref<640xf32, #tpu.memory_space<hbm>>
      tpu.wait_dma2 semaphore(%run_scoped3A_63 : memref<!tpu.dma_semaphore, #tpu.memory_space<semaphore_mem>>) src(%dma_wait3A_65 : memref<640xf32, #tpu.memory_space<hbm>>) dst(%dma_wait3A : memref<640xf32, #tpu.memory_space<vmem_shared>>)
      tpu.yield
    }) : () -> ()
    %mul3A_5 = arith.constant 80 : i32
    %mul3A_6 = arith.muli %add3A, %mul3A_5 : i32
    %run_scoped3A = arith.constant 1 : i32
    "tpu.region"() ({
      %run_scoped3A_63 = tpu.sem_alloc : memref<!tpu.dma_semaphore, #tpu.memory_space<semaphore_mem>>
      %dma_start3A = arith.constant 0 : i32
      %dma_start3A_64 = tpu.memref_slice %arg2[%run_scoped3A, %mul3A_6, %dma_start3A] : memref<2x2560x125xi32, #tpu.memory_space<hbm>> -> memref<1x80x125xi32, #tpu.memory_space<hbm>>
      %dma_start3A_65 = tpu.memref_squeeze %dma_start3A_64 : memref<1x80x125xi32, #tpu.memory_space<hbm>> -> memref<80x125xi32, #tpu.memory_space<hbm>>
      %dma_start3A_66 = arith.constant 0 : i32
      %dma_start3A_67 = tpu.memref_slice %arg2[%run_scoped3A, %mul3A_6, %dma_start3A_66] : memref<2x2560x125xi32, #tpu.memory_space<hbm>> -> memref<1x80x125xi32, #tpu.memory_space<hbm>>
      %dma_start3A_68 = tpu.memref_squeeze %dma_start3A_67 : memref<1x80x125xi32, #tpu.memory_space<hbm>> -> memref<80x125xi32, #tpu.memory_space<hbm>>
      tpu.enqueue_dma source(%dma_start3A_68 : memref<80x125xi32, #tpu.memory_space<hbm>>) target(%arg5 : memref<80x125xi32, #tpu.memory_space<vmem>>) target_semaphore(%run_scoped3A_63 : memref<!tpu.dma_semaphore, #tpu.memory_space<semaphore_mem>>)
      %dma_wait3A = arith.constant 0 : i32
      %dma_wait3A_69 = tpu.memref_slice %arg2[%run_scoped3A, %mul3A_6, %dma_wait3A] : memref<2x2560x125xi32, #tpu.memory_space<hbm>> -> memref<1x80x125xi32, #tpu.memory_space<hbm>>
      %dma_wait3A_70 = tpu.memref_squeeze %dma_wait3A_69 : memref<1x80x125xi32, #tpu.memory_space<hbm>> -> memref<80x125xi32, #tpu.memory_space<hbm>>
      %dma_wait3A_71 = arith.constant 0 : i32
      %dma_wait3A_72 = tpu.memref_slice %arg2[%run_scoped3A, %mul3A_6, %dma_wait3A_71] : memref<2x2560x125xi32, #tpu.memory_space<hbm>> -> memref<1x80x125xi32, #tpu.memory_space<hbm>>
      %dma_wait3A_73 = tpu.memref_squeeze %dma_wait3A_72 : memref<1x80x125xi32, #tpu.memory_space<hbm>> -> memref<80x125xi32, #tpu.memory_space<hbm>>
      tpu.wait_dma2 semaphore(%run_scoped3A_63 : memref<!tpu.dma_semaphore, #tpu.memory_space<semaphore_mem>>) src(%dma_wait3A_73 : memref<80x125xi32, #tpu.memory_space<hbm>>) dst(%arg5 : memref<80x125xi32, #tpu.memory_space<vmem>>)
      tpu.yield
    }) : () -> ()
    %broadcast_in_dim3A = arith.constant 1.000000e+00 : f32
    %broadcast_in_dim3A_7 = vector.broadcast %broadcast_in_dim3A : f32 to vector<16xf32>
    %swap3A = arith.constant 0 : index
    %swap3A_8 = tpu.vector_load %arg6[%swap3A] {strides = array<i32>} : memref<128xf32, #tpu.memory_space<vmem>>, vector<16xf32>,
    %swap3A_9 = vector.shape_cast %swap3A_8 : vector<16xf32> to vector<16xf32>
    %swap3A_10 = vector.shape_cast %broadcast_in_dim3A_7 : vector<16xf32> to vector<16xf32>
    tpu.vector_store %arg6[%swap3A], %swap3A_10 {strides = array<i32>} : memref<128xf32, #tpu.memory_space<vmem>>, vector<16xf32>,
    %broadcast_in_dim3A_11 = arith.constant 1.000000e+00 : f32
    %broadcast_in_dim3A_12 = vector.broadcast %broadcast_in_dim3A_11 : f32 to vector<16xf32>
    %swap3A_13 = arith.constant 16 : index
    %swap3A_14 = tpu.vector_load %arg6[%swap3A_13] {strides = array<i32>} : memref<128xf32, #tpu.memory_space<vmem>>, vector<16xf32>,
    %swap3A_15 = vector.shape_cast %swap3A_14 : vector<16xf32> to vector<16xf32>
    %swap3A_16 = vector.shape_cast %broadcast_in_dim3A_12 : vector<16xf32> to vector<16xf32>
    tpu.vector_store %arg6[%swap3A_13], %swap3A_16 {strides = array<i32>} : memref<128xf32, #tpu.memory_space<vmem>>, vector<16xf32>,
    %broadcast_in_dim3A_17 = arith.constant 1.000000e+00 : f32
    %broadcast_in_dim3A_18 = vector.broadcast %broadcast_in_dim3A_17 : f32 to vector<16xf32>
    %swap3A_19 = arith.constant 32 : index
    %swap3A_20 = tpu.vector_load %arg6[%swap3A_19] {strides = array<i32>} : memref<128xf32, #tpu.memory_space<vmem>>, vector<16xf32>,
    %swap3A_21 = vector.shape_cast %swap3A_20 : vector<16xf32> to vector<16xf32>
    %swap3A_22 = vector.shape_cast %broadcast_in_dim3A_18 : vector<16xf32> to vector<16xf32>
    tpu.vector_store %arg6[%swap3A_19], %swap3A_22 {strides = array<i32>} : memref<128xf32, #tpu.memory_space<vmem>>, vector<16xf32>,
    %broadcast_in_dim3A_23 = arith.constant 1.000000e+00 : f32
    %broadcast_in_dim3A_24 = vector.broadcast %broadcast_in_dim3A_23 : f32 to vector<16xf32>
    %swap3A_25 = arith.constant 48 : index
    %swap3A_26 = tpu.vector_load %arg6[%swap3A_25] {strides = array<i32>} : memref<128xf32, #tpu.memory_space<vmem>>, vector<16xf32>,
    %swap3A_27 = vector.shape_cast %swap3A_26 : vector<16xf32> to vector<16xf32>
    %swap3A_28 = vector.shape_cast %broadcast_in_dim3A_24 : vector<16xf32> to vector<16xf32>
    tpu.vector_store %arg6[%swap3A_25], %swap3A_28 {strides = array<i32>} : memref<128xf32, #tpu.memory_space<vmem>>, vector<16xf32>,
    %broadcast_in_dim3A_29 = arith.constant 1.000000e+00 : f32
    %broadcast_in_dim3A_30 = vector.broadcast %broadcast_in_dim3A_29 : f32 to vector<16xf32>
    %swap3A_31 = arith.constant 64 : index
    %swap3A_32 = tpu.vector_load %arg6[%swap3A_31] {strides = array<i32>} : memref<128xf32, #tpu.memory_space<vmem>>, vector<16xf32>,
    %swap3A_33 = vector.shape_cast %swap3A_32 : vector<16xf32> to vector<16xf32>
    %swap3A_34 = vector.shape_cast %broadcast_in_dim3A_30 : vector<16xf32> to vector<16xf32>
    tpu.vector_store %arg6[%swap3A_31], %swap3A_34 {strides = array<i32>} : memref<128xf32, #tpu.memory_space<vmem>>, vector<16xf32>,
    %broadcast_in_dim3A_35 = arith.constant 1.000000e+00 : f32
    %broadcast_in_dim3A_36 = vector.broadcast %broadcast_in_dim3A_35 : f32 to vector<16xf32>
    %swap3A_37 = arith.constant 80 : index
    %swap3A_38 = tpu.vector_load %arg6[%swap3A_37] {strides = array<i32>} : memref<128xf32, #tpu.memory_space<vmem>>, vector<16xf32>,
    %swap3A_39 = vector.shape_cast %swap3A_38 : vector<16xf32> to vector<16xf32>
    %swap3A_40 = vector.shape_cast %broadcast_in_dim3A_36 : vector<16xf32> to vector<16xf32>
    tpu.vector_store %arg6[%swap3A_37], %swap3A_40 {strides = array<i32>} : memref<128xf32, #tpu.memory_space<vmem>>, vector<16xf32>,
    %broadcast_in_dim3A_41 = arith.constant 1.000000e+00 : f32
    %broadcast_in_dim3A_42 = vector.broadcast %broadcast_in_dim3A_41 : f32 to vector<16xf32>
    %swap3A_43 = arith.constant 96 : index
    %swap3A_44 = tpu.vector_load %arg6[%swap3A_43] {strides = array<i32>} : memref<128xf32, #tpu.memory_space<vmem>>, vector<16xf32>,
    %swap3A_45 = vector.shape_cast %swap3A_44 : vector<16xf32> to vector<16xf32>
    %swap3A_46 = vector.shape_cast %broadcast_in_dim3A_42 : vector<16xf32> to vector<16xf32>
    tpu.vector_store %arg6[%swap3A_43], %swap3A_46 {strides = array<i32>} : memref<128xf32, #tpu.memory_space<vmem>>, vector<16xf32>,
    %broadcast_in_dim3A_47 = arith.constant 1.000000e+00 : f32
    %broadcast_in_dim3A_48 = vector.broadcast %broadcast_in_dim3A_47 : f32 to vector<16xf32>
    %swap3A_49 = arith.constant 112 : index
    %swap3A_50 = tpu.vector_load %arg6[%swap3A_49] {strides = array<i32>} : memref<128xf32, #tpu.memory_space<vmem>>, vector<16xf32>,
    %swap3A_51 = vector.shape_cast %swap3A_50 : vector<16xf32> to vector<16xf32>
    %swap3A_52 = vector.shape_cast %broadcast_in_dim3A_48 : vector<16xf32> to vector<16xf32>
    tpu.vector_store %arg6[%swap3A_49], %swap3A_52 {strides = array<i32>} : memref<128xf32, #tpu.memory_space<vmem>>, vector<16xf32>,
    %barrier3A = arith.constant 0 : index
    tpu.barrier barrier_id(%barrier3A)
    %scan3A = arith.constant 0 : i32
    %scan3A_53 = arith.constant 0 : i32
    %scan3A_54 = arith.constant 80 : i32
    %scan3A_55 = arith.addi %scan3A_53, %scan3A_54 : i32
    %scan3A_56 = arith.constant 1 : i32
    scf.for %scan3A_63 = %scan3A_53 to %scan3A_55 step %scan3A_56  : i32 {
      "tpu.region"() ({
        %run_scoped3A_64 = tpu.sem_alloc : memref<!tpu.dma_semaphore, #tpu.memory_space<semaphore_mem>>
        %dma_start3A = arith.constant 0 : i32
        %dma_start3A_65 = tpu.memref_slice %arg6[%dma_start3A] : memref<128xf32, #tpu.memory_space<vmem>> -> memref<125xf32, #tpu.memory_space<vmem>>
        %dma_start3A_66 = arith.constant 0 : i32
        %dma_start3A_67 = tpu.memref_slice %arg5[%scan3A_63, %dma_start3A_66] : memref<80x125xi32, #tpu.memory_space<vmem>> -> memref<1x125xi32, #tpu.memory_space<vmem>>
        %dma_start3A_68 = tpu.memref_squeeze %dma_start3A_67 : memref<1x125xi32, #tpu.memory_space<vmem>> -> memref<125xi32, #tpu.memory_space<vmem>>
        %dma_start3A_69 = arith.constant 0 : i32
        %dma_start3A_70 = tpu.memref_slice %arg7[%dma_start3A_69] : memref<10240xf32, #tpu.memory_space<vmem_shared>> -> memref<10240xf32, #tpu.memory_space<vmem_shared>>
        tpu.enqueue_indirect_dma source(%dma_start3A_65 : memref<125xf32, #tpu.memory_space<vmem>>) target(%dma_start3A_70 : memref<10240xf32, #tpu.memory_space<vmem_shared>>) offsets(%dma_start3A_68 : memref<125xi32, #tpu.memory_space<vmem>>) semaphore(%run_scoped3A_64 : memref<!tpu.dma_semaphore, #tpu.memory_space<semaphore_mem>>) {add = true}
        %dma_wait3A = arith.constant 0 : i32
        %dma_wait3A_71 = tpu.memref_slice %arg6[%dma_wait3A] : memref<128xf32, #tpu.memory_space<vmem>> -> memref<125xf32, #tpu.memory_space<vmem>>
        %dma_wait3A_72 = arith.constant 0 : i32
        %dma_wait3A_73 = tpu.memref_slice %arg5[%scan3A_63, %dma_wait3A_72] : memref<80x125xi32, #tpu.memory_space<vmem>> -> memref<1x125xi32, #tpu.memory_space<vmem>>
        %dma_wait3A_74 = tpu.memref_squeeze %dma_wait3A_73 : memref<1x125xi32, #tpu.memory_space<vmem>> -> memref<125xi32, #tpu.memory_space<vmem>>
        %dma_wait3A_75 = arith.constant 0 : i32
        %dma_wait3A_76 = tpu.memref_slice %arg7[%dma_wait3A_75] : memref<10240xf32, #tpu.memory_space<vmem_shared>> -> memref<10240xf32, #tpu.memory_space<vmem_shared>>
        tpu.wait_indirect_dma semaphore(%run_scoped3A_64 : memref<!tpu.dma_semaphore, #tpu.memory_space<semaphore_mem>>) src(%dma_wait3A_71 : memref<125xf32, #tpu.memory_space<vmem>>) dst(%dma_wait3A_76 : memref<10240xf32, #tpu.memory_space<vmem_shared>>)
        tpu.yield
      }) : () -> ()
    }
    %scan3A_57 = arith.constant 80 : i32
    %barrier3A_58 = arith.constant 0 : index
    tpu.barrier barrier_id(%barrier3A_58)
    %mul3A_59 = arith.constant 640 : i32
    %mul3A_60 = arith.muli %arg1, %mul3A_59 : i32
    %mul3A_61 = arith.constant 640 : i32
    %mul3A_62 = arith.muli %arg1, %mul3A_61 : i32
    "tpu.region"() ({
      %run_scoped3A_63 = tpu.sem_alloc : memref<!tpu.dma_semaphore, #tpu.memory_space<semaphore_mem>>
      %dma_start3A = tpu.memref_slice %arg4[%arg0, %mul3A_62] : memref<2x10240xf32, #tpu.memory_space<hbm>> -> memref<1x640xf32, #tpu.memory_space<hbm>>
      %dma_start3A_64 = tpu.memref_squeeze %dma_start3A : memref<1x640xf32, #tpu.memory_space<hbm>> -> memref<640xf32, #tpu.memory_space<hbm>>
      %dma_start3A_65 = tpu.memref_slice %arg7[%mul3A_60] : memref<10240xf32, #tpu.memory_space<vmem_shared>> -> memref<640xf32, #tpu.memory_space<vmem_shared>>
      tpu.enqueue_dma source(%dma_start3A_65 : memref<640xf32, #tpu.memory_space<vmem_shared>>) target(%dma_start3A_64 : memref<640xf32, #tpu.memory_space<hbm>>) target_semaphore(%run_scoped3A_63 : memref<!tpu.dma_semaphore, #tpu.memory_space<semaphore_mem>>)
      %dma_wait3A = tpu.memref_slice %arg4[%arg0, %mul3A_62] : memref<2x10240xf32, #tpu.memory_space<hbm>> -> memref<1x640xf32, #tpu.memory_space<hbm>>
      %dma_wait3A_66 = tpu.memref_squeeze %dma_wait3A : memref<1x640xf32, #tpu.memory_space<hbm>> -> memref<640xf32, #tpu.memory_space<hbm>>
      %dma_wait3A_67 = tpu.memref_slice %arg7[%mul3A_60] : memref<10240xf32, #tpu.memory_space<vmem_shared>> -> memref<640xf32, #tpu.memory_space<vmem_shared>>
      tpu.wait_dma2 semaphore(%run_scoped3A_63 : memref<!tpu.dma_semaphore, #tpu.memory_space<semaphore_mem>>) src(%dma_wait3A_67 : memref<640xf32, #tpu.memory_space<vmem_shared>>) dst(%dma_wait3A_66 : memref<640xf32, #tpu.memory_space<hbm>>)
      tpu.yield
    }) : () -> ()
    return
  }
}

#map = affine_map<(d0, d1) -> (0, 0, 0)>
#map1 = affine_map<(d0, d1) -> (0, 0)>
module attributes {stable_mosaic.version = 14 : i64} {
  func.func @_sc_edges(%arg0: i32, %arg1: i32, %arg2: memref<2x2560x125xi32, #tpu.memory_space<hbm>>, %arg3: memref<10000x64xf32, #tpu.memory_space<hbm>>, %arg4: memref<10240x64xf32, #tpu.memory_space<hbm>>, %arg5: memref<2x10240x64xf32, #tpu.memory_space<hbm>>, %arg6: memref<80x125xi32, #tpu.memory_space<vmem>>, %arg7: memref<80x125xi32, #tpu.memory_space<vmem>>, %arg8: memref<8x125x64xf32, #tpu.memory_space<vmem>>, %arg9: memref<10240x64xf32, #tpu.memory_space<vmem_shared>>, %arg10: memref<!tpu.dma_semaphore, #tpu.memory_space<semaphore_mem>>, %arg11: memref<!tpu.dma_semaphore, #tpu.memory_space<semaphore_mem>>, %arg12: memref<!tpu.dma_semaphore, #tpu.memory_space<semaphore_mem>>, %arg13: memref<!tpu.dma_semaphore, #tpu.memory_space<semaphore_mem>>, %arg14: memref<!tpu.dma_semaphore, #tpu.memory_space<semaphore_mem>>, %arg15: memref<!tpu.dma_semaphore, #tpu.memory_space<semaphore_mem>>, %arg16: memref<!tpu.dma_semaphore, #tpu.memory_space<semaphore_mem>>, %arg17: memref<!tpu.dma_semaphore, #tpu.memory_space<semaphore_mem>>) attributes {dimension_semantics = [#tpu.dimension_semantics<core_parallel>, #tpu.dimension_semantics<subcore_parallel>], iteration_bounds = array<i64: 2, 16>, scalar_prefetch = 0 : i64, scratch_operands = 12 : i64, tpu.core_type = #tpu.core_type<sc_vector_subcore>, window_params = [{transform_indices = #map}, {transform_indices = #map1}, {transform_indices = #map1}, {transform_indices = #map}]} {
    %mul3A = arith.constant 16 : i32
    %mul3A_0 = arith.muli %arg0, %mul3A : i32
    %add3A = arith.addi %mul3A_0, %arg1 : i32
    %mul3A_1 = arith.constant 80 : i32
    %mul3A_2 = arith.muli %add3A, %mul3A_1 : i32
    %run_scoped3A = arith.constant 0 : i32
    "tpu.region"() ({
      %run_scoped3A_18 = tpu.sem_alloc : memref<!tpu.dma_semaphore, #tpu.memory_space<semaphore_mem>>
      %dma_start3A = arith.constant 0 : i32
      %dma_start3A_19 = tpu.memref_slice %arg2[%run_scoped3A, %mul3A_2, %dma_start3A] : memref<2x2560x125xi32, #tpu.memory_space<hbm>> -> memref<1x80x125xi32, #tpu.memory_space<hbm>>
      %dma_start3A_20 = tpu.memref_squeeze %dma_start3A_19 : memref<1x80x125xi32, #tpu.memory_space<hbm>> -> memref<80x125xi32, #tpu.memory_space<hbm>>
      %dma_start3A_21 = arith.constant 0 : i32
      %dma_start3A_22 = tpu.memref_slice %arg2[%run_scoped3A, %mul3A_2, %dma_start3A_21] : memref<2x2560x125xi32, #tpu.memory_space<hbm>> -> memref<1x80x125xi32, #tpu.memory_space<hbm>>
      %dma_start3A_23 = tpu.memref_squeeze %dma_start3A_22 : memref<1x80x125xi32, #tpu.memory_space<hbm>> -> memref<80x125xi32, #tpu.memory_space<hbm>>
      tpu.enqueue_dma source(%dma_start3A_23 : memref<80x125xi32, #tpu.memory_space<hbm>>) target(%arg6 : memref<80x125xi32, #tpu.memory_space<vmem>>) target_semaphore(%run_scoped3A_18 : memref<!tpu.dma_semaphore, #tpu.memory_space<semaphore_mem>>)
      %dma_wait3A = arith.constant 0 : i32
      %dma_wait3A_24 = tpu.memref_slice %arg2[%run_scoped3A, %mul3A_2, %dma_wait3A] : memref<2x2560x125xi32, #tpu.memory_space<hbm>> -> memref<1x80x125xi32, #tpu.memory_space<hbm>>
      %dma_wait3A_25 = tpu.memref_squeeze %dma_wait3A_24 : memref<1x80x125xi32, #tpu.memory_space<hbm>> -> memref<80x125xi32, #tpu.memory_space<hbm>>
      %dma_wait3A_26 = arith.constant 0 : i32
      %dma_wait3A_27 = tpu.memref_slice %arg2[%run_scoped3A, %mul3A_2, %dma_wait3A_26] : memref<2x2560x125xi32, #tpu.memory_space<hbm>> -> memref<1x80x125xi32, #tpu.memory_space<hbm>>
      %dma_wait3A_28 = tpu.memref_squeeze %dma_wait3A_27 : memref<1x80x125xi32, #tpu.memory_space<hbm>> -> memref<80x125xi32, #tpu.memory_space<hbm>>
      tpu.wait_dma2 semaphore(%run_scoped3A_18 : memref<!tpu.dma_semaphore, #tpu.memory_space<semaphore_mem>>) src(%dma_wait3A_28 : memref<80x125xi32, #tpu.memory_space<hbm>>) dst(%arg6 : memref<80x125xi32, #tpu.memory_space<vmem>>)
      tpu.yield
    }) : () -> ()
    %run_scoped3A_3 = arith.constant 1 : i32
    "tpu.region"() ({
      %run_scoped3A_18 = tpu.sem_alloc : memref<!tpu.dma_semaphore, #tpu.memory_space<semaphore_mem>>
      %dma_start3A = arith.constant 0 : i32
      %dma_start3A_19 = tpu.memref_slice %arg2[%run_scoped3A_3, %mul3A_2, %dma_start3A] : memref<2x2560x125xi32, #tpu.memory_space<hbm>> -> memref<1x80x125xi32, #tpu.memory_space<hbm>>
      %dma_start3A_20 = tpu.memref_squeeze %dma_start3A_19 : memref<1x80x125xi32, #tpu.memory_space<hbm>> -> memref<80x125xi32, #tpu.memory_space<hbm>>
      %dma_start3A_21 = arith.constant 0 : i32
      %dma_start3A_22 = tpu.memref_slice %arg2[%run_scoped3A_3, %mul3A_2, %dma_start3A_21] : memref<2x2560x125xi32, #tpu.memory_space<hbm>> -> memref<1x80x125xi32, #tpu.memory_space<hbm>>
      %dma_start3A_23 = tpu.memref_squeeze %dma_start3A_22 : memref<1x80x125xi32, #tpu.memory_space<hbm>> -> memref<80x125xi32, #tpu.memory_space<hbm>>
      tpu.enqueue_dma source(%dma_start3A_23 : memref<80x125xi32, #tpu.memory_space<hbm>>) target(%arg7 : memref<80x125xi32, #tpu.memory_space<vmem>>) target_semaphore(%run_scoped3A_18 : memref<!tpu.dma_semaphore, #tpu.memory_space<semaphore_mem>>)
      %dma_wait3A = arith.constant 0 : i32
      %dma_wait3A_24 = tpu.memref_slice %arg2[%run_scoped3A_3, %mul3A_2, %dma_wait3A] : memref<2x2560x125xi32, #tpu.memory_space<hbm>> -> memref<1x80x125xi32, #tpu.memory_space<hbm>>
      %dma_wait3A_25 = tpu.memref_squeeze %dma_wait3A_24 : memref<1x80x125xi32, #tpu.memory_space<hbm>> -> memref<80x125xi32, #tpu.memory_space<hbm>>
      %dma_wait3A_26 = arith.constant 0 : i32
      %dma_wait3A_27 = tpu.memref_slice %arg2[%run_scoped3A_3, %mul3A_2, %dma_wait3A_26] : memref<2x2560x125xi32, #tpu.memory_space<hbm>> -> memref<1x80x125xi32, #tpu.memory_space<hbm>>
      %dma_wait3A_28 = tpu.memref_squeeze %dma_wait3A_27 : memref<1x80x125xi32, #tpu.memory_space<hbm>> -> memref<80x125xi32, #tpu.memory_space<hbm>>
      tpu.wait_dma2 semaphore(%run_scoped3A_18 : memref<!tpu.dma_semaphore, #tpu.memory_space<semaphore_mem>>) src(%dma_wait3A_28 : memref<80x125xi32, #tpu.memory_space<hbm>>) dst(%arg7 : memref<80x125xi32, #tpu.memory_space<vmem>>)
      tpu.yield
    }) : () -> ()
    %mul3A_4 = arith.constant 640 : i32
    %mul3A_5 = arith.muli %arg1, %mul3A_4 : i32
    %mul3A_6 = arith.constant 640 : i32
    %mul3A_7 = arith.muli %arg1, %mul3A_6 : i32
    "tpu.region"() ({
      %run_scoped3A_18 = tpu.sem_alloc : memref<!tpu.dma_semaphore, #tpu.memory_space<semaphore_mem>>
      %dma_start3A = arith.constant 0 : i32
      %dma_start3A_19 = tpu.memref_slice %arg9[%mul3A_7, %dma_start3A] : memref<10240x64xf32, #tpu.memory_space<vmem_shared>> -> memref<640x64xf32, #tpu.memory_space<vmem_shared>>
      %dma_start3A_20 = arith.constant 0 : i32
      %dma_start3A_21 = tpu.memref_slice %arg4[%mul3A_5, %dma_start3A_20] : memref<10240x64xf32, #tpu.memory_space<hbm>> -> memref<640x64xf32, #tpu.memory_space<hbm>>
      tpu.enqueue_dma source(%dma_start3A_21 : memref<640x64xf32, #tpu.memory_space<hbm>>) target(%dma_start3A_19 : memref<640x64xf32, #tpu.memory_space<vmem_shared>>) target_semaphore(%run_scoped3A_18 : memref<!tpu.dma_semaphore, #tpu.memory_space<semaphore_mem>>)
      %dma_wait3A = arith.constant 0 : i32
      %dma_wait3A_22 = tpu.memref_slice %arg9[%mul3A_7, %dma_wait3A] : memref<10240x64xf32, #tpu.memory_space<vmem_shared>> -> memref<640x64xf32, #tpu.memory_space<vmem_shared>>
      %dma_wait3A_23 = arith.constant 0 : i32
      %dma_wait3A_24 = tpu.memref_slice %arg4[%mul3A_5, %dma_wait3A_23] : memref<10240x64xf32, #tpu.memory_space<hbm>> -> memref<640x64xf32, #tpu.memory_space<hbm>>
      tpu.wait_dma2 semaphore(%run_scoped3A_18 : memref<!tpu.dma_semaphore, #tpu.memory_space<semaphore_mem>>) src(%dma_wait3A_24 : memref<640x64xf32, #tpu.memory_space<hbm>>) dst(%dma_wait3A_22 : memref<640x64xf32, #tpu.memory_space<vmem_shared>>)
      tpu.yield
    }) : () -> ()
    %barrier3A = arith.constant 0 : index
    tpu.barrier barrier_id(%barrier3A)
    %scan3A = arith.constant 0 : i32
    %scan3A_8 = arith.constant 0 : i32
    %scan3A_9 = arith.constant 10 : i32
    %scan3A_10 = arith.addi %scan3A_8, %scan3A_9 : i32
    %scan3A_11 = arith.constant 1 : i32
    scf.for %scan3A_18 = %scan3A_8 to %scan3A_10 step %scan3A_11  : i32 {
      %mul3A_19 = arith.constant 8 : i32
      %mul3A_20 = arith.muli %scan3A_18, %mul3A_19 : i32
      %add3A_21 = arith.constant 0 : i32
      %add3A_22 = arith.addi %mul3A_20, %add3A_21 : i32
      %dma_start3A = arith.constant 0 : i32
      %dma_start3A_23 = arith.constant 0 : i32
      %dma_start3A_24 = arith.constant 0 : i32
      %dma_start3A_25 = tpu.memref_slice %arg8[%dma_start3A, %dma_start3A_23, %dma_start3A_24] : memref<8x125x64xf32, #tpu.memory_space<vmem>> -> memref<1x125x64xf32, #tpu.memory_space<vmem>>
      %dma_start3A_26 = tpu.memref_squeeze %dma_start3A_25 : memref<1x125x64xf32, #tpu.memory_space<vmem>> -> memref<125x64xf32, #tpu.memory_space<vmem>>
      %dma_start3A_27 = arith.constant 0 : i32
      %dma_start3A_28 = tpu.memref_slice %arg6[%add3A_22, %dma_start3A_27] : memref<80x125xi32, #tpu.memory_space<vmem>> -> memref<1x125xi32, #tpu.memory_space<vmem>>
      %dma_start3A_29 = tpu.memref_squeeze %dma_start3A_28 : memref<1x125xi32, #tpu.memory_space<vmem>> -> memref<125xi32, #tpu.memory_space<vmem>>
      %dma_start3A_30 = arith.constant 0 : i32
      %dma_start3A_31 = arith.constant 0 : i32
      %dma_start3A_32 = tpu.memref_slice %arg3[%dma_start3A_30, %dma_start3A_31] : memref<10000x64xf32, #tpu.memory_space<hbm>> -> memref<10000x64xf32, #tpu.memory_space<hbm>>
      tpu.enqueue_indirect_dma source(%dma_start3A_32 : memref<10000x64xf32, #tpu.memory_space<hbm>>) target(%dma_start3A_26 : memref<125x64xf32, #tpu.memory_space<vmem>>) offsets(%dma_start3A_29 : memref<125xi32, #tpu.memory_space<vmem>>) semaphore(%arg10 : memref<!tpu.dma_semaphore, #tpu.memory_space<semaphore_mem>>)
      %add3A_33 = arith.constant 1 : i32
      %add3A_34 = arith.addi %mul3A_20, %add3A_33 : i32
      %dma_start3A_35 = arith.constant 1 : i32
      %dma_start3A_36 = arith.constant 0 : i32
      %dma_start3A_37 = arith.constant 0 : i32
      %dma_start3A_38 = tpu.memref_slice %arg8[%dma_start3A_35, %dma_start3A_36, %dma_start3A_37] : memref<8x125x64xf32, #tpu.memory_space<vmem>> -> memref<1x125x64xf32, #tpu.memory_space<vmem>>
      %dma_start3A_39 = tpu.memref_squeeze %dma_start3A_38 : memref<1x125x64xf32, #tpu.memory_space<vmem>> -> memref<125x64xf32, #tpu.memory_space<vmem>>
      %dma_start3A_40 = arith.constant 0 : i32
      %dma_start3A_41 = tpu.memref_slice %arg6[%add3A_34, %dma_start3A_40] : memref<80x125xi32, #tpu.memory_space<vmem>> -> memref<1x125xi32, #tpu.memory_space<vmem>>
      %dma_start3A_42 = tpu.memref_squeeze %dma_start3A_41 : memref<1x125xi32, #tpu.memory_space<vmem>> -> memref<125xi32, #tpu.memory_space<vmem>>
      %dma_start3A_43 = arith.constant 0 : i32
      %dma_start3A_44 = arith.constant 0 : i32
      %dma_start3A_45 = tpu.memref_slice %arg3[%dma_start3A_43, %dma_start3A_44] : memref<10000x64xf32, #tpu.memory_space<hbm>> -> memref<10000x64xf32, #tpu.memory_space<hbm>>
      tpu.enqueue_indirect_dma source(%dma_start3A_45 : memref<10000x64xf32, #tpu.memory_space<hbm>>) target(%dma_start3A_39 : memref<125x64xf32, #tpu.memory_space<vmem>>) offsets(%dma_start3A_42 : memref<125xi32, #tpu.memory_space<vmem>>) semaphore(%arg11 : memref<!tpu.dma_semaphore, #tpu.memory_space<semaphore_mem>>)
      %add3A_46 = arith.constant 2 : i32
      %add3A_47 = arith.addi %mul3A_20, %add3A_46 : i32
      %dma_start3A_48 = arith.constant 2 : i32
      %dma_start3A_49 = arith.constant 0 : i32
      %dma_start3A_50 = arith.constant 0 : i32
      %dma_start3A_51 = tpu.memref_slice %arg8[%dma_start3A_48, %dma_start3A_49, %dma_start3A_50] : memref<8x125x64xf32, #tpu.memory_space<vmem>> -> memref<1x125x64xf32, #tpu.memory_space<vmem>>
      %dma_start3A_52 = tpu.memref_squeeze %dma_start3A_51 : memref<1x125x64xf32, #tpu.memory_space<vmem>> -> memref<125x64xf32, #tpu.memory_space<vmem>>
      %dma_start3A_53 = arith.constant 0 : i32
      %dma_start3A_54 = tpu.memref_slice %arg6[%add3A_47, %dma_start3A_53] : memref<80x125xi32, #tpu.memory_space<vmem>> -> memref<1x125xi32, #tpu.memory_space<vmem>>
      %dma_start3A_55 = tpu.memref_squeeze %dma_start3A_54 : memref<1x125xi32, #tpu.memory_space<vmem>> -> memref<125xi32, #tpu.memory_space<vmem>>
      %dma_start3A_56 = arith.constant 0 : i32
      %dma_start3A_57 = arith.constant 0 : i32
      %dma_start3A_58 = tpu.memref_slice %arg3[%dma_start3A_56, %dma_start3A_57] : memref<10000x64xf32, #tpu.memory_space<hbm>> -> memref<10000x64xf32, #tpu.memory_space<hbm>>
      tpu.enqueue_indirect_dma source(%dma_start3A_58 : memref<10000x64xf32, #tpu.memory_space<hbm>>) target(%dma_start3A_52 : memref<125x64xf32, #tpu.memory_space<vmem>>) offsets(%dma_start3A_55 : memref<125xi32, #tpu.memory_space<vmem>>) semaphore(%arg12 : memref<!tpu.dma_semaphore, #tpu.memory_space<semaphore_mem>>)
      %add3A_59 = arith.constant 3 : i32
      %add3A_60 = arith.addi %mul3A_20, %add3A_59 : i32
      %dma_start3A_61 = arith.constant 3 : i32
      %dma_start3A_62 = arith.constant 0 : i32
      %dma_start3A_63 = arith.constant 0 : i32
      %dma_start3A_64 = tpu.memref_slice %arg8[%dma_start3A_61, %dma_start3A_62, %dma_start3A_63] : memref<8x125x64xf32, #tpu.memory_space<vmem>> -> memref<1x125x64xf32, #tpu.memory_space<vmem>>
      %dma_start3A_65 = tpu.memref_squeeze %dma_start3A_64 : memref<1x125x64xf32, #tpu.memory_space<vmem>> -> memref<125x64xf32, #tpu.memory_space<vmem>>
      %dma_start3A_66 = arith.constant 0 : i32
      %dma_start3A_67 = tpu.memref_slice %arg6[%add3A_60, %dma_start3A_66] : memref<80x125xi32, #tpu.memory_space<vmem>> -> memref<1x125xi32, #tpu.memory_space<vmem>>
      %dma_start3A_68 = tpu.memref_squeeze %dma_start3A_67 : memref<1x125xi32, #tpu.memory_space<vmem>> -> memref<125xi32, #tpu.memory_space<vmem>>
      %dma_start3A_69 = arith.constant 0 : i32
      %dma_start3A_70 = arith.constant 0 : i32
      %dma_start3A_71 = tpu.memref_slice %arg3[%dma_start3A_69, %dma_start3A_70] : memref<10000x64xf32, #tpu.memory_space<hbm>> -> memref<10000x64xf32, #tpu.memory_space<hbm>>
      tpu.enqueue_indirect_dma source(%dma_start3A_71 : memref<10000x64xf32, #tpu.memory_space<hbm>>) target(%dma_start3A_65 : memref<125x64xf32, #tpu.memory_space<vmem>>) offsets(%dma_start3A_68 : memref<125xi32, #tpu.memory_space<vmem>>) semaphore(%arg13 : memref<!tpu.dma_semaphore, #tpu.memory_space<semaphore_mem>>)
      %add3A_72 = arith.constant 4 : i32
      %add3A_73 = arith.addi %mul3A_20, %add3A_72 : i32
      %dma_start3A_74 = arith.constant 4 : i32
      %dma_start3A_75 = arith.constant 0 : i32
      %dma_start3A_76 = arith.constant 0 : i32
      %dma_start3A_77 = tpu.memref_slice %arg8[%dma_start3A_74, %dma_start3A_75, %dma_start3A_76] : memref<8x125x64xf32, #tpu.memory_space<vmem>> -> memref<1x125x64xf32, #tpu.memory_space<vmem>>
      %dma_start3A_78 = tpu.memref_squeeze %dma_start3A_77 : memref<1x125x64xf32, #tpu.memory_space<vmem>> -> memref<125x64xf32, #tpu.memory_space<vmem>>
      %dma_start3A_79 = arith.constant 0 : i32
      %dma_start3A_80 = tpu.memref_slice %arg6[%add3A_73, %dma_start3A_79] : memref<80x125xi32, #tpu.memory_space<vmem>> -> memref<1x125xi32, #tpu.memory_space<vmem>>
      %dma_start3A_81 = tpu.memref_squeeze %dma_start3A_80 : memref<1x125xi32, #tpu.memory_space<vmem>> -> memref<125xi32, #tpu.memory_space<vmem>>
      %dma_start3A_82 = arith.constant 0 : i32
      %dma_start3A_83 = arith.constant 0 : i32
      %dma_start3A_84 = tpu.memref_slice %arg3[%dma_start3A_82, %dma_start3A_83] : memref<10000x64xf32, #tpu.memory_space<hbm>> -> memref<10000x64xf32, #tpu.memory_space<hbm>>
      tpu.enqueue_indirect_dma source(%dma_start3A_84 : memref<10000x64xf32, #tpu.memory_space<hbm>>) target(%dma_start3A_78 : memref<125x64xf32, #tpu.memory_space<vmem>>) offsets(%dma_start3A_81 : memref<125xi32, #tpu.memory_space<vmem>>) semaphore(%arg14 : memref<!tpu.dma_semaphore, #tpu.memory_space<semaphore_mem>>)
      %add3A_85 = arith.constant 5 : i32
      %add3A_86 = arith.addi %mul3A_20, %add3A_85 : i32
      %dma_start3A_87 = arith.constant 5 : i32
      %dma_start3A_88 = arith.constant 0 : i32
      %dma_start3A_89 = arith.constant 0 : i32
      %dma_start3A_90 = tpu.memref_slice %arg8[%dma_start3A_87, %dma_start3A_88, %dma_start3A_89] : memref<8x125x64xf32, #tpu.memory_space<vmem>> -> memref<1x125x64xf32, #tpu.memory_space<vmem>>
      %dma_start3A_91 = tpu.memref_squeeze %dma_start3A_90 : memref<1x125x64xf32, #tpu.memory_space<vmem>> -> memref<125x64xf32, #tpu.memory_space<vmem>>
      %dma_start3A_92 = arith.constant 0 : i32
      %dma_start3A_93 = tpu.memref_slice %arg6[%add3A_86, %dma_start3A_92] : memref<80x125xi32, #tpu.memory_space<vmem>> -> memref<1x125xi32, #tpu.memory_space<vmem>>
      %dma_start3A_94 = tpu.memref_squeeze %dma_start3A_93 : memref<1x125xi32, #tpu.memory_space<vmem>> -> memref<125xi32, #tpu.memory_space<vmem>>
      %dma_start3A_95 = arith.constant 0 : i32
      %dma_start3A_96 = arith.constant 0 : i32
      %dma_start3A_97 = tpu.memref_slice %arg3[%dma_start3A_95, %dma_start3A_96] : memref<10000x64xf32, #tpu.memory_space<hbm>> -> memref<10000x64xf32, #tpu.memory_space<hbm>>
      tpu.enqueue_indirect_dma source(%dma_start3A_97 : memref<10000x64xf32, #tpu.memory_space<hbm>>) target(%dma_start3A_91 : memref<125x64xf32, #tpu.memory_space<vmem>>) offsets(%dma_start3A_94 : memref<125xi32, #tpu.memory_space<vmem>>) semaphore(%arg15 : memref<!tpu.dma_semaphore, #tpu.memory_space<semaphore_mem>>)
      %add3A_98 = arith.constant 6 : i32
      %add3A_99 = arith.addi %mul3A_20, %add3A_98 : i32
      %dma_start3A_100 = arith.constant 6 : i32
      %dma_start3A_101 = arith.constant 0 : i32
      %dma_start3A_102 = arith.constant 0 : i32
      %dma_start3A_103 = tpu.memref_slice %arg8[%dma_start3A_100, %dma_start3A_101, %dma_start3A_102] : memref<8x125x64xf32, #tpu.memory_space<vmem>> -> memref<1x125x64xf32, #tpu.memory_space<vmem>>
      %dma_start3A_104 = tpu.memref_squeeze %dma_start3A_103 : memref<1x125x64xf32, #tpu.memory_space<vmem>> -> memref<125x64xf32, #tpu.memory_space<vmem>>
      %dma_start3A_105 = arith.constant 0 : i32
      %dma_start3A_106 = tpu.memref_slice %arg6[%add3A_99, %dma_start3A_105] : memref<80x125xi32, #tpu.memory_space<vmem>> -> memref<1x125xi32, #tpu.memory_space<vmem>>
      %dma_start3A_107 = tpu.memref_squeeze %dma_start3A_106 : memref<1x125xi32, #tpu.memory_space<vmem>> -> memref<125xi32, #tpu.memory_space<vmem>>
      %dma_start3A_108 = arith.constant 0 : i32
      %dma_start3A_109 = arith.constant 0 : i32
      %dma_start3A_110 = tpu.memref_slice %arg3[%dma_start3A_108, %dma_start3A_109] : memref<10000x64xf32, #tpu.memory_space<hbm>> -> memref<10000x64xf32, #tpu.memory_space<hbm>>
      tpu.enqueue_indirect_dma source(%dma_start3A_110 : memref<10000x64xf32, #tpu.memory_space<hbm>>) target(%dma_start3A_104 : memref<125x64xf32, #tpu.memory_space<vmem>>) offsets(%dma_start3A_107 : memref<125xi32, #tpu.memory_space<vmem>>) semaphore(%arg16 : memref<!tpu.dma_semaphore, #tpu.memory_space<semaphore_mem>>)
      %add3A_111 = arith.constant 7 : i32
      %add3A_112 = arith.addi %mul3A_20, %add3A_111 : i32
      %dma_start3A_113 = arith.constant 7 : i32
      %dma_start3A_114 = arith.constant 0 : i32
      %dma_start3A_115 = arith.constant 0 : i32
      %dma_start3A_116 = tpu.memref_slice %arg8[%dma_start3A_113, %dma_start3A_114, %dma_start3A_115] : memref<8x125x64xf32, #tpu.memory_space<vmem>> -> memref<1x125x64xf32, #tpu.memory_space<vmem>>
      %dma_start3A_117 = tpu.memref_squeeze %dma_start3A_116 : memref<1x125x64xf32, #tpu.memory_space<vmem>> -> memref<125x64xf32, #tpu.memory_space<vmem>>
      %dma_start3A_118 = arith.constant 0 : i32
      %dma_start3A_119 = tpu.memref_slice %arg6[%add3A_112, %dma_start3A_118] : memref<80x125xi32, #tpu.memory_space<vmem>> -> memref<1x125xi32, #tpu.memory_space<vmem>>
      %dma_start3A_120 = tpu.memref_squeeze %dma_start3A_119 : memref<1x125xi32, #tpu.memory_space<vmem>> -> memref<125xi32, #tpu.memory_space<vmem>>
      %dma_start3A_121 = arith.constant 0 : i32
      %dma_start3A_122 = arith.constant 0 : i32
      %dma_start3A_123 = tpu.memref_slice %arg3[%dma_start3A_121, %dma_start3A_122] : memref<10000x64xf32, #tpu.memory_space<hbm>> -> memref<10000x64xf32, #tpu.memory_space<hbm>>
      tpu.enqueue_indirect_dma source(%dma_start3A_123 : memref<10000x64xf32, #tpu.memory_space<hbm>>) target(%dma_start3A_117 : memref<125x64xf32, #tpu.memory_space<vmem>>) offsets(%dma_start3A_120 : memref<125xi32, #tpu.memory_space<vmem>>) semaphore(%arg17 : memref<!tpu.dma_semaphore, #tpu.memory_space<semaphore_mem>>)
      %dma_wait3A = arith.constant 0 : i32
      %dma_wait3A_124 = arith.constant 0 : i32
      %dma_wait3A_125 = arith.constant 0 : i32
      %dma_wait3A_126 = tpu.memref_slice %arg8[%dma_wait3A, %dma_wait3A_124, %dma_wait3A_125] : memref<8x125x64xf32, #tpu.memory_space<vmem>> -> memref<1x125x64xf32, #tpu.memory_space<vmem>>
      %dma_wait3A_127 = tpu.memref_squeeze %dma_wait3A_126 : memref<1x125x64xf32, #tpu.memory_space<vmem>> -> memref<125x64xf32, #tpu.memory_space<vmem>>
      %dma_wait3A_128 = arith.constant 0 : i32
      %dma_wait3A_129 = tpu.memref_slice %arg6[%add3A_22, %dma_wait3A_128] : memref<80x125xi32, #tpu.memory_space<vmem>> -> memref<1x125xi32, #tpu.memory_space<vmem>>
      %dma_wait3A_130 = tpu.memref_squeeze %dma_wait3A_129 : memref<1x125xi32, #tpu.memory_space<vmem>> -> memref<125xi32, #tpu.memory_space<vmem>>
      %dma_wait3A_131 = arith.constant 0 : i32
      %dma_wait3A_132 = arith.constant 0 : i32
      %dma_wait3A_133 = tpu.memref_slice %arg3[%dma_wait3A_131, %dma_wait3A_132] : memref<10000x64xf32, #tpu.memory_space<hbm>> -> memref<10000x64xf32, #tpu.memory_space<hbm>>
      tpu.wait_indirect_dma semaphore(%arg10 : memref<!tpu.dma_semaphore, #tpu.memory_space<semaphore_mem>>) src(%dma_wait3A_133 : memref<10000x64xf32, #tpu.memory_space<hbm>>) dst(%dma_wait3A_127 : memref<125x64xf32, #tpu.memory_space<vmem>>)
      %add3A_134 = arith.constant 0 : i32
      %add3A_135 = arith.addi %mul3A_20, %add3A_134 : i32
      %run_scoped3A_136 = arith.constant 0 : i32
      "tpu.region"() ({
        %run_scoped3A_235 = tpu.sem_alloc : memref<!tpu.dma_semaphore, #tpu.memory_space<semaphore_mem>>
        %dma_start3A_236 = arith.constant 0 : i32
        %dma_start3A_237 = arith.constant 0 : i32
        %dma_start3A_238 = tpu.memref_slice %arg8[%run_scoped3A_136, %dma_start3A_236, %dma_start3A_237] : memref<8x125x64xf32, #tpu.memory_space<vmem>> -> memref<1x125x64xf32, #tpu.memory_space<vmem>>
        %dma_start3A_239 = tpu.memref_squeeze %dma_start3A_238 : memref<1x125x64xf32, #tpu.memory_space<vmem>> -> memref<125x64xf32, #tpu.memory_space<vmem>>
        %dma_start3A_240 = arith.constant 0 : i32
        %dma_start3A_241 = tpu.memref_slice %arg7[%add3A_135, %dma_start3A_240] : memref<80x125xi32, #tpu.memory_space<vmem>> -> memref<1x125xi32, #tpu.memory_space<vmem>>
        %dma_start3A_242 = tpu.memref_squeeze %dma_start3A_241 : memref<1x125xi32, #tpu.memory_space<vmem>> -> memref<125xi32, #tpu.memory_space<vmem>>
        %dma_start3A_243 = arith.constant 0 : i32
        %dma_start3A_244 = arith.constant 0 : i32
        %dma_start3A_245 = tpu.memref_slice %arg9[%dma_start3A_243, %dma_start3A_244] : memref<10240x64xf32, #tpu.memory_space<vmem_shared>> -> memref<10240x64xf32, #tpu.memory_space<vmem_shared>>
        tpu.enqueue_indirect_dma source(%dma_start3A_239 : memref<125x64xf32, #tpu.memory_space<vmem>>) target(%dma_start3A_245 : memref<10240x64xf32, #tpu.memory_space<vmem_shared>>) offsets(%dma_start3A_242 : memref<125xi32, #tpu.memory_space<vmem>>) semaphore(%run_scoped3A_235 : memref<!tpu.dma_semaphore, #tpu.memory_space<semaphore_mem>>) {add = true}
        %dma_wait3A_246 = arith.constant 0 : i32
        %dma_wait3A_247 = arith.constant 0 : i32
        %dma_wait3A_248 = tpu.memref_slice %arg8[%run_scoped3A_136, %dma_wait3A_246, %dma_wait3A_247] : memref<8x125x64xf32, #tpu.memory_space<vmem>> -> memref<1x125x64xf32, #tpu.memory_space<vmem>>
        %dma_wait3A_249 = tpu.memref_squeeze %dma_wait3A_248 : memref<1x125x64xf32, #tpu.memory_space<vmem>> -> memref<125x64xf32, #tpu.memory_space<vmem>>
        %dma_wait3A_250 = arith.constant 0 : i32
        %dma_wait3A_251 = tpu.memref_slice %arg7[%add3A_135, %dma_wait3A_250] : memref<80x125xi32, #tpu.memory_space<vmem>> -> memref<1x125xi32, #tpu.memory_space<vmem>>
        %dma_wait3A_252 = tpu.memref_squeeze %dma_wait3A_251 : memref<1x125xi32, #tpu.memory_space<vmem>> -> memref<125xi32, #tpu.memory_space<vmem>>
        %dma_wait3A_253 = arith.constant 0 : i32
        %dma_wait3A_254 = arith.constant 0 : i32
        %dma_wait3A_255 = tpu.memref_slice %arg9[%dma_wait3A_253, %dma_wait3A_254] : memref<10240x64xf32, #tpu.memory_space<vmem_shared>> -> memref<10240x64xf32, #tpu.memory_space<vmem_shared>>
        tpu.wait_indirect_dma semaphore(%run_scoped3A_235 : memref<!tpu.dma_semaphore, #tpu.memory_space<semaphore_mem>>) src(%dma_wait3A_249 : memref<125x64xf32, #tpu.memory_space<vmem>>) dst(%dma_wait3A_255 : memref<10240x64xf32, #tpu.memory_space<vmem_shared>>)
        tpu.yield
      }) : () -> ()
      %dma_wait3A_137 = arith.constant 1 : i32
      %dma_wait3A_138 = arith.constant 0 : i32
      %dma_wait3A_139 = arith.constant 0 : i32
      %dma_wait3A_140 = tpu.memref_slice %arg8[%dma_wait3A_137, %dma_wait3A_138, %dma_wait3A_139] : memref<8x125x64xf32, #tpu.memory_space<vmem>> -> memref<1x125x64xf32, #tpu.memory_space<vmem>>
      %dma_wait3A_141 = tpu.memref_squeeze %dma_wait3A_140 : memref<1x125x64xf32, #tpu.memory_space<vmem>> -> memref<125x64xf32, #tpu.memory_space<vmem>>
      %dma_wait3A_142 = arith.constant 0 : i32
      %dma_wait3A_143 = tpu.memref_slice %arg6[%add3A_34, %dma_wait3A_142] : memref<80x125xi32, #tpu.memory_space<vmem>> -> memref<1x125xi32, #tpu.memory_space<vmem>>
      %dma_wait3A_144 = tpu.memref_squeeze %dma_wait3A_143 : memref<1x125xi32, #tpu.memory_space<vmem>> -> memref<125xi32, #tpu.memory_space<vmem>>
      %dma_wait3A_145 = arith.constant 0 : i32
      %dma_wait3A_146 = arith.constant 0 : i32
      %dma_wait3A_147 = tpu.memref_slice %arg3[%dma_wait3A_145, %dma_wait3A_146] : memref<10000x64xf32, #tpu.memory_space<hbm>> -> memref<10000x64xf32, #tpu.memory_space<hbm>>
      tpu.wait_indirect_dma semaphore(%arg11 : memref<!tpu.dma_semaphore, #tpu.memory_space<semaphore_mem>>) src(%dma_wait3A_147 : memref<10000x64xf32, #tpu.memory_space<hbm>>) dst(%dma_wait3A_141 : memref<125x64xf32, #tpu.memory_space<vmem>>)
      %add3A_148 = arith.constant 1 : i32
      %add3A_149 = arith.addi %mul3A_20, %add3A_148 : i32
      %run_scoped3A_150 = arith.constant 1 : i32
      "tpu.region"() ({
        %run_scoped3A_235 = tpu.sem_alloc : memref<!tpu.dma_semaphore, #tpu.memory_space<semaphore_mem>>
        %dma_start3A_236 = arith.constant 0 : i32
        %dma_start3A_237 = arith.constant 0 : i32
        %dma_start3A_238 = tpu.memref_slice %arg8[%run_scoped3A_150, %dma_start3A_236, %dma_start3A_237] : memref<8x125x64xf32, #tpu.memory_space<vmem>> -> memref<1x125x64xf32, #tpu.memory_space<vmem>>
        %dma_start3A_239 = tpu.memref_squeeze %dma_start3A_238 : memref<1x125x64xf32, #tpu.memory_space<vmem>> -> memref<125x64xf32, #tpu.memory_space<vmem>>
        %dma_start3A_240 = arith.constant 0 : i32
        %dma_start3A_241 = tpu.memref_slice %arg7[%add3A_149, %dma_start3A_240] : memref<80x125xi32, #tpu.memory_space<vmem>> -> memref<1x125xi32, #tpu.memory_space<vmem>>
        %dma_start3A_242 = tpu.memref_squeeze %dma_start3A_241 : memref<1x125xi32, #tpu.memory_space<vmem>> -> memref<125xi32, #tpu.memory_space<vmem>>
        %dma_start3A_243 = arith.constant 0 : i32
        %dma_start3A_244 = arith.constant 0 : i32
        %dma_start3A_245 = tpu.memref_slice %arg9[%dma_start3A_243, %dma_start3A_244] : memref<10240x64xf32, #tpu.memory_space<vmem_shared>> -> memref<10240x64xf32, #tpu.memory_space<vmem_shared>>
        tpu.enqueue_indirect_dma source(%dma_start3A_239 : memref<125x64xf32, #tpu.memory_space<vmem>>) target(%dma_start3A_245 : memref<10240x64xf32, #tpu.memory_space<vmem_shared>>) offsets(%dma_start3A_242 : memref<125xi32, #tpu.memory_space<vmem>>) semaphore(%run_scoped3A_235 : memref<!tpu.dma_semaphore, #tpu.memory_space<semaphore_mem>>) {add = true}
        %dma_wait3A_246 = arith.constant 0 : i32
        %dma_wait3A_247 = arith.constant 0 : i32
        %dma_wait3A_248 = tpu.memref_slice %arg8[%run_scoped3A_150, %dma_wait3A_246, %dma_wait3A_247] : memref<8x125x64xf32, #tpu.memory_space<vmem>> -> memref<1x125x64xf32, #tpu.memory_space<vmem>>
        %dma_wait3A_249 = tpu.memref_squeeze %dma_wait3A_248 : memref<1x125x64xf32, #tpu.memory_space<vmem>> -> memref<125x64xf32, #tpu.memory_space<vmem>>
        %dma_wait3A_250 = arith.constant 0 : i32
        %dma_wait3A_251 = tpu.memref_slice %arg7[%add3A_149, %dma_wait3A_250] : memref<80x125xi32, #tpu.memory_space<vmem>> -> memref<1x125xi32, #tpu.memory_space<vmem>>
        %dma_wait3A_252 = tpu.memref_squeeze %dma_wait3A_251 : memref<1x125xi32, #tpu.memory_space<vmem>> -> memref<125xi32, #tpu.memory_space<vmem>>
        %dma_wait3A_253 = arith.constant 0 : i32
        %dma_wait3A_254 = arith.constant 0 : i32
        %dma_wait3A_255 = tpu.memref_slice %arg9[%dma_wait3A_253, %dma_wait3A_254] : memref<10240x64xf32, #tpu.memory_space<vmem_shared>> -> memref<10240x64xf32, #tpu.memory_space<vmem_shared>>
        tpu.wait_indirect_dma semaphore(%run_scoped3A_235 : memref<!tpu.dma_semaphore, #tpu.memory_space<semaphore_mem>>) src(%dma_wait3A_249 : memref<125x64xf32, #tpu.memory_space<vmem>>) dst(%dma_wait3A_255 : memref<10240x64xf32, #tpu.memory_space<vmem_shared>>)
        tpu.yield
      }) : () -> ()
      %dma_wait3A_151 = arith.constant 2 : i32
      %dma_wait3A_152 = arith.constant 0 : i32
      %dma_wait3A_153 = arith.constant 0 : i32
      %dma_wait3A_154 = tpu.memref_slice %arg8[%dma_wait3A_151, %dma_wait3A_152, %dma_wait3A_153] : memref<8x125x64xf32, #tpu.memory_space<vmem>> -> memref<1x125x64xf32, #tpu.memory_space<vmem>>
      %dma_wait3A_155 = tpu.memref_squeeze %dma_wait3A_154 : memref<1x125x64xf32, #tpu.memory_space<vmem>> -> memref<125x64xf32, #tpu.memory_space<vmem>>
      %dma_wait3A_156 = arith.constant 0 : i32
      %dma_wait3A_157 = tpu.memref_slice %arg6[%add3A_47, %dma_wait3A_156] : memref<80x125xi32, #tpu.memory_space<vmem>> -> memref<1x125xi32, #tpu.memory_space<vmem>>
      %dma_wait3A_158 = tpu.memref_squeeze %dma_wait3A_157 : memref<1x125xi32, #tpu.memory_space<vmem>> -> memref<125xi32, #tpu.memory_space<vmem>>
      %dma_wait3A_159 = arith.constant 0 : i32
      %dma_wait3A_160 = arith.constant 0 : i32
      %dma_wait3A_161 = tpu.memref_slice %arg3[%dma_wait3A_159, %dma_wait3A_160] : memref<10000x64xf32, #tpu.memory_space<hbm>> -> memref<10000x64xf32, #tpu.memory_space<hbm>>
      tpu.wait_indirect_dma semaphore(%arg12 : memref<!tpu.dma_semaphore, #tpu.memory_space<semaphore_mem>>) src(%dma_wait3A_161 : memref<10000x64xf32, #tpu.memory_space<hbm>>) dst(%dma_wait3A_155 : memref<125x64xf32, #tpu.memory_space<vmem>>)
      %add3A_162 = arith.constant 2 : i32
      %add3A_163 = arith.addi %mul3A_20, %add3A_162 : i32
      %run_scoped3A_164 = arith.constant 2 : i32
      "tpu.region"() ({
        %run_scoped3A_235 = tpu.sem_alloc : memref<!tpu.dma_semaphore, #tpu.memory_space<semaphore_mem>>
        %dma_start3A_236 = arith.constant 0 : i32
        %dma_start3A_237 = arith.constant 0 : i32
        %dma_start3A_238 = tpu.memref_slice %arg8[%run_scoped3A_164, %dma_start3A_236, %dma_start3A_237] : memref<8x125x64xf32, #tpu.memory_space<vmem>> -> memref<1x125x64xf32, #tpu.memory_space<vmem>>
        %dma_start3A_239 = tpu.memref_squeeze %dma_start3A_238 : memref<1x125x64xf32, #tpu.memory_space<vmem>> -> memref<125x64xf32, #tpu.memory_space<vmem>>
        %dma_start3A_240 = arith.constant 0 : i32
        %dma_start3A_241 = tpu.memref_slice %arg7[%add3A_163, %dma_start3A_240] : memref<80x125xi32, #tpu.memory_space<vmem>> -> memref<1x125xi32, #tpu.memory_space<vmem>>
        %dma_start3A_242 = tpu.memref_squeeze %dma_start3A_241 : memref<1x125xi32, #tpu.memory_space<vmem>> -> memref<125xi32, #tpu.memory_space<vmem>>
        %dma_start3A_243 = arith.constant 0 : i32
        %dma_start3A_244 = arith.constant 0 : i32
        %dma_start3A_245 = tpu.memref_slice %arg9[%dma_start3A_243, %dma_start3A_244] : memref<10240x64xf32, #tpu.memory_space<vmem_shared>> -> memref<10240x64xf32, #tpu.memory_space<vmem_shared>>
        tpu.enqueue_indirect_dma source(%dma_start3A_239 : memref<125x64xf32, #tpu.memory_space<vmem>>) target(%dma_start3A_245 : memref<10240x64xf32, #tpu.memory_space<vmem_shared>>) offsets(%dma_start3A_242 : memref<125xi32, #tpu.memory_space<vmem>>) semaphore(%run_scoped3A_235 : memref<!tpu.dma_semaphore, #tpu.memory_space<semaphore_mem>>) {add = true}
        %dma_wait3A_246 = arith.constant 0 : i32
        %dma_wait3A_247 = arith.constant 0 : i32
        %dma_wait3A_248 = tpu.memref_slice %arg8[%run_scoped3A_164, %dma_wait3A_246, %dma_wait3A_247] : memref<8x125x64xf32, #tpu.memory_space<vmem>> -> memref<1x125x64xf32, #tpu.memory_space<vmem>>
        %dma_wait3A_249 = tpu.memref_squeeze %dma_wait3A_248 : memref<1x125x64xf32, #tpu.memory_space<vmem>> -> memref<125x64xf32, #tpu.memory_space<vmem>>
        %dma_wait3A_250 = arith.constant 0 : i32
        %dma_wait3A_251 = tpu.memref_slice %arg7[%add3A_163, %dma_wait3A_250] : memref<80x125xi32, #tpu.memory_space<vmem>> -> memref<1x125xi32, #tpu.memory_space<vmem>>
        %dma_wait3A_252 = tpu.memref_squeeze %dma_wait3A_251 : memref<1x125xi32, #tpu.memory_space<vmem>> -> memref<125xi32, #tpu.memory_space<vmem>>
        %dma_wait3A_253 = arith.constant 0 : i32
        %dma_wait3A_254 = arith.constant 0 : i32
        %dma_wait3A_255 = tpu.memref_slice %arg9[%dma_wait3A_253, %dma_wait3A_254] : memref<10240x64xf32, #tpu.memory_space<vmem_shared>> -> memref<10240x64xf32, #tpu.memory_space<vmem_shared>>
        tpu.wait_indirect_dma semaphore(%run_scoped3A_235 : memref<!tpu.dma_semaphore, #tpu.memory_space<semaphore_mem>>) src(%dma_wait3A_249 : memref<125x64xf32, #tpu.memory_space<vmem>>) dst(%dma_wait3A_255 : memref<10240x64xf32, #tpu.memory_space<vmem_shared>>)
        tpu.yield
      }) : () -> ()
      %dma_wait3A_165 = arith.constant 3 : i32
      %dma_wait3A_166 = arith.constant 0 : i32
      %dma_wait3A_167 = arith.constant 0 : i32
      %dma_wait3A_168 = tpu.memref_slice %arg8[%dma_wait3A_165, %dma_wait3A_166, %dma_wait3A_167] : memref<8x125x64xf32, #tpu.memory_space<vmem>> -> memref<1x125x64xf32, #tpu.memory_space<vmem>>
      %dma_wait3A_169 = tpu.memref_squeeze %dma_wait3A_168 : memref<1x125x64xf32, #tpu.memory_space<vmem>> -> memref<125x64xf32, #tpu.memory_space<vmem>>
      %dma_wait3A_170 = arith.constant 0 : i32
      %dma_wait3A_171 = tpu.memref_slice %arg6[%add3A_60, %dma_wait3A_170] : memref<80x125xi32, #tpu.memory_space<vmem>> -> memref<1x125xi32, #tpu.memory_space<vmem>>
      %dma_wait3A_172 = tpu.memref_squeeze %dma_wait3A_171 : memref<1x125xi32, #tpu.memory_space<vmem>> -> memref<125xi32, #tpu.memory_space<vmem>>
      %dma_wait3A_173 = arith.constant 0 : i32
      %dma_wait3A_174 = arith.constant 0 : i32
      %dma_wait3A_175 = tpu.memref_slice %arg3[%dma_wait3A_173, %dma_wait3A_174] : memref<10000x64xf32, #tpu.memory_space<hbm>> -> memref<10000x64xf32, #tpu.memory_space<hbm>>
      tpu.wait_indirect_dma semaphore(%arg13 : memref<!tpu.dma_semaphore, #tpu.memory_space<semaphore_mem>>) src(%dma_wait3A_175 : memref<10000x64xf32, #tpu.memory_space<hbm>>) dst(%dma_wait3A_169 : memref<125x64xf32, #tpu.memory_space<vmem>>)
      %add3A_176 = arith.constant 3 : i32
      %add3A_177 = arith.addi %mul3A_20, %add3A_176 : i32
      %run_scoped3A_178 = arith.constant 3 : i32
      "tpu.region"() ({
        %run_scoped3A_235 = tpu.sem_alloc : memref<!tpu.dma_semaphore, #tpu.memory_space<semaphore_mem>>
        %dma_start3A_236 = arith.constant 0 : i32
        %dma_start3A_237 = arith.constant 0 : i32
        %dma_start3A_238 = tpu.memref_slice %arg8[%run_scoped3A_178, %dma_start3A_236, %dma_start3A_237] : memref<8x125x64xf32, #tpu.memory_space<vmem>> -> memref<1x125x64xf32, #tpu.memory_space<vmem>>
        %dma_start3A_239 = tpu.memref_squeeze %dma_start3A_238 : memref<1x125x64xf32, #tpu.memory_space<vmem>> -> memref<125x64xf32, #tpu.memory_space<vmem>>
        %dma_start3A_240 = arith.constant 0 : i32
        %dma_start3A_241 = tpu.memref_slice %arg7[%add3A_177, %dma_start3A_240] : memref<80x125xi32, #tpu.memory_space<vmem>> -> memref<1x125xi32, #tpu.memory_space<vmem>>
        %dma_start3A_242 = tpu.memref_squeeze %dma_start3A_241 : memref<1x125xi32, #tpu.memory_space<vmem>> -> memref<125xi32, #tpu.memory_space<vmem>>
        %dma_start3A_243 = arith.constant 0 : i32
        %dma_start3A_244 = arith.constant 0 : i32
        %dma_start3A_245 = tpu.memref_slice %arg9[%dma_start3A_243, %dma_start3A_244] : memref<10240x64xf32, #tpu.memory_space<vmem_shared>> -> memref<10240x64xf32, #tpu.memory_space<vmem_shared>>
        tpu.enqueue_indirect_dma source(%dma_start3A_239 : memref<125x64xf32, #tpu.memory_space<vmem>>) target(%dma_start3A_245 : memref<10240x64xf32, #tpu.memory_space<vmem_shared>>) offsets(%dma_start3A_242 : memref<125xi32, #tpu.memory_space<vmem>>) semaphore(%run_scoped3A_235 : memref<!tpu.dma_semaphore, #tpu.memory_space<semaphore_mem>>) {add = true}
        %dma_wait3A_246 = arith.constant 0 : i32
        %dma_wait3A_247 = arith.constant 0 : i32
        %dma_wait3A_248 = tpu.memref_slice %arg8[%run_scoped3A_178, %dma_wait3A_246, %dma_wait3A_247] : memref<8x125x64xf32, #tpu.memory_space<vmem>> -> memref<1x125x64xf32, #tpu.memory_space<vmem>>
        %dma_wait3A_249 = tpu.memref_squeeze %dma_wait3A_248 : memref<1x125x64xf32, #tpu.memory_space<vmem>> -> memref<125x64xf32, #tpu.memory_space<vmem>>
        %dma_wait3A_250 = arith.constant 0 : i32
        %dma_wait3A_251 = tpu.memref_slice %arg7[%add3A_177, %dma_wait3A_250] : memref<80x125xi32, #tpu.memory_space<vmem>> -> memref<1x125xi32, #tpu.memory_space<vmem>>
        %dma_wait3A_252 = tpu.memref_squeeze %dma_wait3A_251 : memref<1x125xi32, #tpu.memory_space<vmem>> -> memref<125xi32, #tpu.memory_space<vmem>>
        %dma_wait3A_253 = arith.constant 0 : i32
        %dma_wait3A_254 = arith.constant 0 : i32
        %dma_wait3A_255 = tpu.memref_slice %arg9[%dma_wait3A_253, %dma_wait3A_254] : memref<10240x64xf32, #tpu.memory_space<vmem_shared>> -> memref<10240x64xf32, #tpu.memory_space<vmem_shared>>
        tpu.wait_indirect_dma semaphore(%run_scoped3A_235 : memref<!tpu.dma_semaphore, #tpu.memory_space<semaphore_mem>>) src(%dma_wait3A_249 : memref<125x64xf32, #tpu.memory_space<vmem>>) dst(%dma_wait3A_255 : memref<10240x64xf32, #tpu.memory_space<vmem_shared>>)
        tpu.yield
      }) : () -> ()
      %dma_wait3A_179 = arith.constant 4 : i32
      %dma_wait3A_180 = arith.constant 0 : i32
      %dma_wait3A_181 = arith.constant 0 : i32
      %dma_wait3A_182 = tpu.memref_slice %arg8[%dma_wait3A_179, %dma_wait3A_180, %dma_wait3A_181] : memref<8x125x64xf32, #tpu.memory_space<vmem>> -> memref<1x125x64xf32, #tpu.memory_space<vmem>>
      %dma_wait3A_183 = tpu.memref_squeeze %dma_wait3A_182 : memref<1x125x64xf32, #tpu.memory_space<vmem>> -> memref<125x64xf32, #tpu.memory_space<vmem>>
      %dma_wait3A_184 = arith.constant 0 : i32
      %dma_wait3A_185 = tpu.memref_slice %arg6[%add3A_73, %dma_wait3A_184] : memref<80x125xi32, #tpu.memory_space<vmem>> -> memref<1x125xi32, #tpu.memory_space<vmem>>
      %dma_wait3A_186 = tpu.memref_squeeze %dma_wait3A_185 : memref<1x125xi32, #tpu.memory_space<vmem>> -> memref<125xi32, #tpu.memory_space<vmem>>
      %dma_wait3A_187 = arith.constant 0 : i32
      %dma_wait3A_188 = arith.constant 0 : i32
      %dma_wait3A_189 = tpu.memref_slice %arg3[%dma_wait3A_187, %dma_wait3A_188] : memref<10000x64xf32, #tpu.memory_space<hbm>> -> memref<10000x64xf32, #tpu.memory_space<hbm>>
      tpu.wait_indirect_dma semaphore(%arg14 : memref<!tpu.dma_semaphore, #tpu.memory_space<semaphore_mem>>) src(%dma_wait3A_189 : memref<10000x64xf32, #tpu.memory_space<hbm>>) dst(%dma_wait3A_183 : memref<125x64xf32, #tpu.memory_space<vmem>>)
      %add3A_190 = arith.constant 4 : i32
      %add3A_191 = arith.addi %mul3A_20, %add3A_190 : i32
      %run_scoped3A_192 = arith.constant 4 : i32
      "tpu.region"() ({
        %run_scoped3A_235 = tpu.sem_alloc : memref<!tpu.dma_semaphore, #tpu.memory_space<semaphore_mem>>
        %dma_start3A_236 = arith.constant 0 : i32
        %dma_start3A_237 = arith.constant 0 : i32
        %dma_start3A_238 = tpu.memref_slice %arg8[%run_scoped3A_192, %dma_start3A_236, %dma_start3A_237] : memref<8x125x64xf32, #tpu.memory_space<vmem>> -> memref<1x125x64xf32, #tpu.memory_space<vmem>>
        %dma_start3A_239 = tpu.memref_squeeze %dma_start3A_238 : memref<1x125x64xf32, #tpu.memory_space<vmem>> -> memref<125x64xf32, #tpu.memory_space<vmem>>
        %dma_start3A_240 = arith.constant 0 : i32
        %dma_start3A_241 = tpu.memref_slice %arg7[%add3A_191, %dma_start3A_240] : memref<80x125xi32, #tpu.memory_space<vmem>> -> memref<1x125xi32, #tpu.memory_space<vmem>>
        %dma_start3A_242 = tpu.memref_squeeze %dma_start3A_241 : memref<1x125xi32, #tpu.memory_space<vmem>> -> memref<125xi32, #tpu.memory_space<vmem>>
        %dma_start3A_243 = arith.constant 0 : i32
        %dma_start3A_244 = arith.constant 0 : i32
        %dma_start3A_245 = tpu.memref_slice %arg9[%dma_start3A_243, %dma_start3A_244] : memref<10240x64xf32, #tpu.memory_space<vmem_shared>> -> memref<10240x64xf32, #tpu.memory_space<vmem_shared>>
        tpu.enqueue_indirect_dma source(%dma_start3A_239 : memref<125x64xf32, #tpu.memory_space<vmem>>) target(%dma_start3A_245 : memref<10240x64xf32, #tpu.memory_space<vmem_shared>>) offsets(%dma_start3A_242 : memref<125xi32, #tpu.memory_space<vmem>>) semaphore(%run_scoped3A_235 : memref<!tpu.dma_semaphore, #tpu.memory_space<semaphore_mem>>) {add = true}
        %dma_wait3A_246 = arith.constant 0 : i32
        %dma_wait3A_247 = arith.constant 0 : i32
        %dma_wait3A_248 = tpu.memref_slice %arg8[%run_scoped3A_192, %dma_wait3A_246, %dma_wait3A_247] : memref<8x125x64xf32, #tpu.memory_space<vmem>> -> memref<1x125x64xf32, #tpu.memory_space<vmem>>
        %dma_wait3A_249 = tpu.memref_squeeze %dma_wait3A_248 : memref<1x125x64xf32, #tpu.memory_space<vmem>> -> memref<125x64xf32, #tpu.memory_space<vmem>>
        %dma_wait3A_250 = arith.constant 0 : i32
        %dma_wait3A_251 = tpu.memref_slice %arg7[%add3A_191, %dma_wait3A_250] : memref<80x125xi32, #tpu.memory_space<vmem>> -> memref<1x125xi32, #tpu.memory_space<vmem>>
        %dma_wait3A_252 = tpu.memref_squeeze %dma_wait3A_251 : memref<1x125xi32, #tpu.memory_space<vmem>> -> memref<125xi32, #tpu.memory_space<vmem>>
        %dma_wait3A_253 = arith.constant 0 : i32
        %dma_wait3A_254 = arith.constant 0 : i32
        %dma_wait3A_255 = tpu.memref_slice %arg9[%dma_wait3A_253, %dma_wait3A_254] : memref<10240x64xf32, #tpu.memory_space<vmem_shared>> -> memref<10240x64xf32, #tpu.memory_space<vmem_shared>>
        tpu.wait_indirect_dma semaphore(%run_scoped3A_235 : memref<!tpu.dma_semaphore, #tpu.memory_space<semaphore_mem>>) src(%dma_wait3A_249 : memref<125x64xf32, #tpu.memory_space<vmem>>) dst(%dma_wait3A_255 : memref<10240x64xf32, #tpu.memory_space<vmem_shared>>)
        tpu.yield
      }) : () -> ()
      %dma_wait3A_193 = arith.constant 5 : i32
      %dma_wait3A_194 = arith.constant 0 : i32
      %dma_wait3A_195 = arith.constant 0 : i32
      %dma_wait3A_196 = tpu.memref_slice %arg8[%dma_wait3A_193, %dma_wait3A_194, %dma_wait3A_195] : memref<8x125x64xf32, #tpu.memory_space<vmem>> -> memref<1x125x64xf32, #tpu.memory_space<vmem>>
      %dma_wait3A_197 = tpu.memref_squeeze %dma_wait3A_196 : memref<1x125x64xf32, #tpu.memory_space<vmem>> -> memref<125x64xf32, #tpu.memory_space<vmem>>
      %dma_wait3A_198 = arith.constant 0 : i32
      %dma_wait3A_199 = tpu.memref_slice %arg6[%add3A_86, %dma_wait3A_198] : memref<80x125xi32, #tpu.memory_space<vmem>> -> memref<1x125xi32, #tpu.memory_space<vmem>>
      %dma_wait3A_200 = tpu.memref_squeeze %dma_wait3A_199 : memref<1x125xi32, #tpu.memory_space<vmem>> -> memref<125xi32, #tpu.memory_space<vmem>>
      %dma_wait3A_201 = arith.constant 0 : i32
      %dma_wait3A_202 = arith.constant 0 : i32
      %dma_wait3A_203 = tpu.memref_slice %arg3[%dma_wait3A_201, %dma_wait3A_202] : memref<10000x64xf32, #tpu.memory_space<hbm>> -> memref<10000x64xf32, #tpu.memory_space<hbm>>
      tpu.wait_indirect_dma semaphore(%arg15 : memref<!tpu.dma_semaphore, #tpu.memory_space<semaphore_mem>>) src(%dma_wait3A_203 : memref<10000x64xf32, #tpu.memory_space<hbm>>) dst(%dma_wait3A_197 : memref<125x64xf32, #tpu.memory_space<vmem>>)
      %add3A_204 = arith.constant 5 : i32
      %add3A_205 = arith.addi %mul3A_20, %add3A_204 : i32
      %run_scoped3A_206 = arith.constant 5 : i32
      "tpu.region"() ({
        %run_scoped3A_235 = tpu.sem_alloc : memref<!tpu.dma_semaphore, #tpu.memory_space<semaphore_mem>>
        %dma_start3A_236 = arith.constant 0 : i32
        %dma_start3A_237 = arith.constant 0 : i32
        %dma_start3A_238 = tpu.memref_slice %arg8[%run_scoped3A_206, %dma_start3A_236, %dma_start3A_237] : memref<8x125x64xf32, #tpu.memory_space<vmem>> -> memref<1x125x64xf32, #tpu.memory_space<vmem>>
        %dma_start3A_239 = tpu.memref_squeeze %dma_start3A_238 : memref<1x125x64xf32, #tpu.memory_space<vmem>> -> memref<125x64xf32, #tpu.memory_space<vmem>>
        %dma_start3A_240 = arith.constant 0 : i32
        %dma_start3A_241 = tpu.memref_slice %arg7[%add3A_205, %dma_start3A_240] : memref<80x125xi32, #tpu.memory_space<vmem>> -> memref<1x125xi32, #tpu.memory_space<vmem>>
        %dma_start3A_242 = tpu.memref_squeeze %dma_start3A_241 : memref<1x125xi32, #tpu.memory_space<vmem>> -> memref<125xi32, #tpu.memory_space<vmem>>
        %dma_start3A_243 = arith.constant 0 : i32
        %dma_start3A_244 = arith.constant 0 : i32
        %dma_start3A_245 = tpu.memref_slice %arg9[%dma_start3A_243, %dma_start3A_244] : memref<10240x64xf32, #tpu.memory_space<vmem_shared>> -> memref<10240x64xf32, #tpu.memory_space<vmem_shared>>
        tpu.enqueue_indirect_dma source(%dma_start3A_239 : memref<125x64xf32, #tpu.memory_space<vmem>>) target(%dma_start3A_245 : memref<10240x64xf32, #tpu.memory_space<vmem_shared>>) offsets(%dma_start3A_242 : memref<125xi32, #tpu.memory_space<vmem>>) semaphore(%run_scoped3A_235 : memref<!tpu.dma_semaphore, #tpu.memory_space<semaphore_mem>>) {add = true}
        %dma_wait3A_246 = arith.constant 0 : i32
        %dma_wait3A_247 = arith.constant 0 : i32
        %dma_wait3A_248 = tpu.memref_slice %arg8[%run_scoped3A_206, %dma_wait3A_246, %dma_wait3A_247] : memref<8x125x64xf32, #tpu.memory_space<vmem>> -> memref<1x125x64xf32, #tpu.memory_space<vmem>>
        %dma_wait3A_249 = tpu.memref_squeeze %dma_wait3A_248 : memref<1x125x64xf32, #tpu.memory_space<vmem>> -> memref<125x64xf32, #tpu.memory_space<vmem>>
        %dma_wait3A_250 = arith.constant 0 : i32
        %dma_wait3A_251 = tpu.memref_slice %arg7[%add3A_205, %dma_wait3A_250] : memref<80x125xi32, #tpu.memory_space<vmem>> -> memref<1x125xi32, #tpu.memory_space<vmem>>
        %dma_wait3A_252 = tpu.memref_squeeze %dma_wait3A_251 : memref<1x125xi32, #tpu.memory_space<vmem>> -> memref<125xi32, #tpu.memory_space<vmem>>
        %dma_wait3A_253 = arith.constant 0 : i32
        %dma_wait3A_254 = arith.constant 0 : i32
        %dma_wait3A_255 = tpu.memref_slice %arg9[%dma_wait3A_253, %dma_wait3A_254] : memref<10240x64xf32, #tpu.memory_space<vmem_shared>> -> memref<10240x64xf32, #tpu.memory_space<vmem_shared>>
        tpu.wait_indirect_dma semaphore(%run_scoped3A_235 : memref<!tpu.dma_semaphore, #tpu.memory_space<semaphore_mem>>) src(%dma_wait3A_249 : memref<125x64xf32, #tpu.memory_space<vmem>>) dst(%dma_wait3A_255 : memref<10240x64xf32, #tpu.memory_space<vmem_shared>>)
        tpu.yield
      }) : () -> ()
      %dma_wait3A_207 = arith.constant 6 : i32
      %dma_wait3A_208 = arith.constant 0 : i32
      %dma_wait3A_209 = arith.constant 0 : i32
      %dma_wait3A_210 = tpu.memref_slice %arg8[%dma_wait3A_207, %dma_wait3A_208, %dma_wait3A_209] : memref<8x125x64xf32, #tpu.memory_space<vmem>> -> memref<1x125x64xf32, #tpu.memory_space<vmem>>
      %dma_wait3A_211 = tpu.memref_squeeze %dma_wait3A_210 : memref<1x125x64xf32, #tpu.memory_space<vmem>> -> memref<125x64xf32, #tpu.memory_space<vmem>>
      %dma_wait3A_212 = arith.constant 0 : i32
      %dma_wait3A_213 = tpu.memref_slice %arg6[%add3A_99, %dma_wait3A_212] : memref<80x125xi32, #tpu.memory_space<vmem>> -> memref<1x125xi32, #tpu.memory_space<vmem>>
      %dma_wait3A_214 = tpu.memref_squeeze %dma_wait3A_213 : memref<1x125xi32, #tpu.memory_space<vmem>> -> memref<125xi32, #tpu.memory_space<vmem>>
      %dma_wait3A_215 = arith.constant 0 : i32
      %dma_wait3A_216 = arith.constant 0 : i32
      %dma_wait3A_217 = tpu.memref_slice %arg3[%dma_wait3A_215, %dma_wait3A_216] : memref<10000x64xf32, #tpu.memory_space<hbm>> -> memref<10000x64xf32, #tpu.memory_space<hbm>>
      tpu.wait_indirect_dma semaphore(%arg16 : memref<!tpu.dma_semaphore, #tpu.memory_space<semaphore_mem>>) src(%dma_wait3A_217 : memref<10000x64xf32, #tpu.memory_space<hbm>>) dst(%dma_wait3A_211 : memref<125x64xf32, #tpu.memory_space<vmem>>)
      %add3A_218 = arith.constant 6 : i32
      %add3A_219 = arith.addi %mul3A_20, %add3A_218 : i32
      %run_scoped3A_220 = arith.constant 6 : i32
      "tpu.region"() ({
        %run_scoped3A_235 = tpu.sem_alloc : memref<!tpu.dma_semaphore, #tpu.memory_space<semaphore_mem>>
        %dma_start3A_236 = arith.constant 0 : i32
        %dma_start3A_237 = arith.constant 0 : i32
        %dma_start3A_238 = tpu.memref_slice %arg8[%run_scoped3A_220, %dma_start3A_236, %dma_start3A_237] : memref<8x125x64xf32, #tpu.memory_space<vmem>> -> memref<1x125x64xf32, #tpu.memory_space<vmem>>
        %dma_start3A_239 = tpu.memref_squeeze %dma_start3A_238 : memref<1x125x64xf32, #tpu.memory_space<vmem>> -> memref<125x64xf32, #tpu.memory_space<vmem>>
        %dma_start3A_240 = arith.constant 0 : i32
        %dma_start3A_241 = tpu.memref_slice %arg7[%add3A_219, %dma_start3A_240] : memref<80x125xi32, #tpu.memory_space<vmem>> -> memref<1x125xi32, #tpu.memory_space<vmem>>
        %dma_start3A_242 = tpu.memref_squeeze %dma_start3A_241 : memref<1x125xi32, #tpu.memory_space<vmem>> -> memref<125xi32, #tpu.memory_space<vmem>>
        %dma_start3A_243 = arith.constant 0 : i32
        %dma_start3A_244 = arith.constant 0 : i32
        %dma_start3A_245 = tpu.memref_slice %arg9[%dma_start3A_243, %dma_start3A_244] : memref<10240x64xf32, #tpu.memory_space<vmem_shared>> -> memref<10240x64xf32, #tpu.memory_space<vmem_shared>>
        tpu.enqueue_indirect_dma source(%dma_start3A_239 : memref<125x64xf32, #tpu.memory_space<vmem>>) target(%dma_start3A_245 : memref<10240x64xf32, #tpu.memory_space<vmem_shared>>) offsets(%dma_start3A_242 : memref<125xi32, #tpu.memory_space<vmem>>) semaphore(%run_scoped3A_235 : memref<!tpu.dma_semaphore, #tpu.memory_space<semaphore_mem>>) {add = true}
        %dma_wait3A_246 = arith.constant 0 : i32
        %dma_wait3A_247 = arith.constant 0 : i32
        %dma_wait3A_248 = tpu.memref_slice %arg8[%run_scoped3A_220, %dma_wait3A_246, %dma_wait3A_247] : memref<8x125x64xf32, #tpu.memory_space<vmem>> -> memref<1x125x64xf32, #tpu.memory_space<vmem>>
        %dma_wait3A_249 = tpu.memref_squeeze %dma_wait3A_248 : memref<1x125x64xf32, #tpu.memory_space<vmem>> -> memref<125x64xf32, #tpu.memory_space<vmem>>
        %dma_wait3A_250 = arith.constant 0 : i32
        %dma_wait3A_251 = tpu.memref_slice %arg7[%add3A_219, %dma_wait3A_250] : memref<80x125xi32, #tpu.memory_space<vmem>> -> memref<1x125xi32, #tpu.memory_space<vmem>>
        %dma_wait3A_252 = tpu.memref_squeeze %dma_wait3A_251 : memref<1x125xi32, #tpu.memory_space<vmem>> -> memref<125xi32, #tpu.memory_space<vmem>>
        %dma_wait3A_253 = arith.constant 0 : i32
        %dma_wait3A_254 = arith.constant 0 : i32
        %dma_wait3A_255 = tpu.memref_slice %arg9[%dma_wait3A_253, %dma_wait3A_254] : memref<10240x64xf32, #tpu.memory_space<vmem_shared>> -> memref<10240x64xf32, #tpu.memory_space<vmem_shared>>
        tpu.wait_indirect_dma semaphore(%run_scoped3A_235 : memref<!tpu.dma_semaphore, #tpu.memory_space<semaphore_mem>>) src(%dma_wait3A_249 : memref<125x64xf32, #tpu.memory_space<vmem>>) dst(%dma_wait3A_255 : memref<10240x64xf32, #tpu.memory_space<vmem_shared>>)
        tpu.yield
      }) : () -> ()
      %dma_wait3A_221 = arith.constant 7 : i32
      %dma_wait3A_222 = arith.constant 0 : i32
      %dma_wait3A_223 = arith.constant 0 : i32
      %dma_wait3A_224 = tpu.memref_slice %arg8[%dma_wait3A_221, %dma_wait3A_222, %dma_wait3A_223] : memref<8x125x64xf32, #tpu.memory_space<vmem>> -> memref<1x125x64xf32, #tpu.memory_space<vmem>>
      %dma_wait3A_225 = tpu.memref_squeeze %dma_wait3A_224 : memref<1x125x64xf32, #tpu.memory_space<vmem>> -> memref<125x64xf32, #tpu.memory_space<vmem>>
      %dma_wait3A_226 = arith.constant 0 : i32
      %dma_wait3A_227 = tpu.memref_slice %arg6[%add3A_112, %dma_wait3A_226] : memref<80x125xi32, #tpu.memory_space<vmem>> -> memref<1x125xi32, #tpu.memory_space<vmem>>
      %dma_wait3A_228 = tpu.memref_squeeze %dma_wait3A_227 : memref<1x125xi32, #tpu.memory_space<vmem>> -> memref<125xi32, #tpu.memory_space<vmem>>
      %dma_wait3A_229 = arith.constant 0 : i32
      %dma_wait3A_230 = arith.constant 0 : i32
      %dma_wait3A_231 = tpu.memref_slice %arg3[%dma_wait3A_229, %dma_wait3A_230] : memref<10000x64xf32, #tpu.memory_space<hbm>> -> memref<10000x64xf32, #tpu.memory_space<hbm>>
      tpu.wait_indirect_dma semaphore(%arg17 : memref<!tpu.dma_semaphore, #tpu.memory_space<semaphore_mem>>) src(%dma_wait3A_231 : memref<10000x64xf32, #tpu.memory_space<hbm>>) dst(%dma_wait3A_225 : memref<125x64xf32, #tpu.memory_space<vmem>>)
      %add3A_232 = arith.constant 7 : i32
      %add3A_233 = arith.addi %mul3A_20, %add3A_232 : i32
      %run_scoped3A_234 = arith.constant 7 : i32
      "tpu.region"() ({
        %run_scoped3A_235 = tpu.sem_alloc : memref<!tpu.dma_semaphore, #tpu.memory_space<semaphore_mem>>
        %dma_start3A_236 = arith.constant 0 : i32
        %dma_start3A_237 = arith.constant 0 : i32
        %dma_start3A_238 = tpu.memref_slice %arg8[%run_scoped3A_234, %dma_start3A_236, %dma_start3A_237] : memref<8x125x64xf32, #tpu.memory_space<vmem>> -> memref<1x125x64xf32, #tpu.memory_space<vmem>>
        %dma_start3A_239 = tpu.memref_squeeze %dma_start3A_238 : memref<1x125x64xf32, #tpu.memory_space<vmem>> -> memref<125x64xf32, #tpu.memory_space<vmem>>
        %dma_start3A_240 = arith.constant 0 : i32
        %dma_start3A_241 = tpu.memref_slice %arg7[%add3A_233, %dma_start3A_240] : memref<80x125xi32, #tpu.memory_space<vmem>> -> memref<1x125xi32, #tpu.memory_space<vmem>>
        %dma_start3A_242 = tpu.memref_squeeze %dma_start3A_241 : memref<1x125xi32, #tpu.memory_space<vmem>> -> memref<125xi32, #tpu.memory_space<vmem>>
        %dma_start3A_243 = arith.constant 0 : i32
        %dma_start3A_244 = arith.constant 0 : i32
        %dma_start3A_245 = tpu.memref_slice %arg9[%dma_start3A_243, %dma_start3A_244] : memref<10240x64xf32, #tpu.memory_space<vmem_shared>> -> memref<10240x64xf32, #tpu.memory_space<vmem_shared>>
        tpu.enqueue_indirect_dma source(%dma_start3A_239 : memref<125x64xf32, #tpu.memory_space<vmem>>) target(%dma_start3A_245 : memref<10240x64xf32, #tpu.memory_space<vmem_shared>>) offsets(%dma_start3A_242 : memref<125xi32, #tpu.memory_space<vmem>>) semaphore(%run_scoped3A_235 : memref<!tpu.dma_semaphore, #tpu.memory_space<semaphore_mem>>) {add = true}
        %dma_wait3A_246 = arith.constant 0 : i32
        %dma_wait3A_247 = arith.constant 0 : i32
        %dma_wait3A_248 = tpu.memref_slice %arg8[%run_scoped3A_234, %dma_wait3A_246, %dma_wait3A_247] : memref<8x125x64xf32, #tpu.memory_space<vmem>> -> memref<1x125x64xf32, #tpu.memory_space<vmem>>
        %dma_wait3A_249 = tpu.memref_squeeze %dma_wait3A_248 : memref<1x125x64xf32, #tpu.memory_space<vmem>> -> memref<125x64xf32, #tpu.memory_space<vmem>>
        %dma_wait3A_250 = arith.constant 0 : i32
        %dma_wait3A_251 = tpu.memref_slice %arg7[%add3A_233, %dma_wait3A_250] : memref<80x125xi32, #tpu.memory_space<vmem>> -> memref<1x125xi32, #tpu.memory_space<vmem>>
        %dma_wait3A_252 = tpu.memref_squeeze %dma_wait3A_251 : memref<1x125xi32, #tpu.memory_space<vmem>> -> memref<125xi32, #tpu.memory_space<vmem>>
        %dma_wait3A_253 = arith.constant 0 : i32
        %dma_wait3A_254 = arith.constant 0 : i32
        %dma_wait3A_255 = tpu.memref_slice %arg9[%dma_wait3A_253, %dma_wait3A_254] : memref<10240x64xf32, #tpu.memory_space<vmem_shared>> -> memref<10240x64xf32, #tpu.memory_space<vmem_shared>>
        tpu.wait_indirect_dma semaphore(%run_scoped3A_235 : memref<!tpu.dma_semaphore, #tpu.memory_space<semaphore_mem>>) src(%dma_wait3A_249 : memref<125x64xf32, #tpu.memory_space<vmem>>) dst(%dma_wait3A_255 : memref<10240x64xf32, #tpu.memory_space<vmem_shared>>)
        tpu.yield
      }) : () -> ()
    }
    %scan3A_12 = arith.constant 10 : i32
    %barrier3A_13 = arith.constant 0 : index
    tpu.barrier barrier_id(%barrier3A_13)
    %mul3A_14 = arith.constant 640 : i32
    %mul3A_15 = arith.muli %arg1, %mul3A_14 : i32
    %mul3A_16 = arith.constant 640 : i32
    %mul3A_17 = arith.muli %arg1, %mul3A_16 : i32
    "tpu.region"() ({
      %run_scoped3A_18 = tpu.sem_alloc : memref<!tpu.dma_semaphore, #tpu.memory_space<semaphore_mem>>
      %dma_start3A = arith.constant 0 : i32
      %dma_start3A_19 = tpu.memref_slice %arg5[%arg0, %mul3A_17, %dma_start3A] : memref<2x10240x64xf32, #tpu.memory_space<hbm>> -> memref<1x640x64xf32, #tpu.memory_space<hbm>>
      %dma_start3A_20 = tpu.memref_squeeze %dma_start3A_19 : memref<1x640x64xf32, #tpu.memory_space<hbm>> -> memref<640x64xf32, #tpu.memory_space<hbm>>
      %dma_start3A_21 = arith.constant 0 : i32
      %dma_start3A_22 = tpu.memref_slice %arg9[%mul3A_15, %dma_start3A_21] : memref<10240x64xf32, #tpu.memory_space<vmem_shared>> -> memref<640x64xf32, #tpu.memory_space<vmem_shared>>
      tpu.enqueue_dma source(%dma_start3A_22 : memref<640x64xf32, #tpu.memory_space<vmem_shared>>) target(%dma_start3A_20 : memref<640x64xf32, #tpu.memory_space<hbm>>) target_semaphore(%run_scoped3A_18 : memref<!tpu.dma_semaphore, #tpu.memory_space<semaphore_mem>>)
      %dma_wait3A = arith.constant 0 : i32
      %dma_wait3A_23 = tpu.memref_slice %arg5[%arg0, %mul3A_17, %dma_wait3A] : memref<2x10240x64xf32, #tpu.memory_space<hbm>> -> memref<1x640x64xf32, #tpu.memory_space<hbm>>
      %dma_wait3A_24 = tpu.memref_squeeze %dma_wait3A_23 : memref<1x640x64xf32, #tpu.memory_space<hbm>> -> memref<640x64xf32, #tpu.memory_space<hbm>>
      %dma_wait3A_25 = arith.constant 0 : i32
      %dma_wait3A_26 = tpu.memref_slice %arg9[%mul3A_15, %dma_wait3A_25] : memref<10240x64xf32, #tpu.memory_space<vmem_shared>> -> memref<640x64xf32, #tpu.memory_space<vmem_shared>>
      tpu.wait_dma2 semaphore(%run_scoped3A_18 : memref<!tpu.dma_semaphore, #tpu.memory_space<semaphore_mem>>) src(%dma_wait3A_26 : memref<640x64xf32, #tpu.memory_space<vmem_shared>>) dst(%dma_wait3A_24 : memref<640x64xf32, #tpu.memory_space<hbm>>)
      tpu.yield
    }) : () -> ()
    return
  }
}

module attributes {stable_mosaic.version = 14 : i64} {
  func.func @_prescale_body(%arg0: i32, %arg1: memref<1000x128xf32, #tpu.memory_space<vmem>>, %arg2: memref<128x64xf32, #tpu.memory_space<vmem>>, %arg3: memref<1000x2xf32, #tpu.memory_space<vmem>>, %arg4: memref<1000x64xf32, #tpu.memory_space<vmem>>, %arg5: memref<1000x1xf32, #tpu.memory_space<vmem>>) attributes {dimension_semantics = [#tpu.dimension_semantics<arbitrary>], iteration_bounds = array<i64: 10>, scalar_prefetch = 0 : i64, scratch_operands = 0 : i64, tpu.core_type = #tpu.core_type<tc>, window_params = [{transform_indices = @transform_0, window_bounds = array<i64: 1000, 128>}, {pipeline_mode = #tpu.pipeline_mode<synchronous>, transform_indices = @transform_1, window_bounds = array<i64: 128, 64>}, {transform_indices = @transform_2, window_bounds = array<i64: 1000, 2>}, {transform_indices = @transform_3, window_bounds = array<i64: 1000, 64>}, {transform_indices = @transform_4, window_bounds = array<i64: 1000, 1>}]} {
    %get3A = arith.constant 0 : index
    %get3A_0 = arith.constant 0 : index
    %get3A_1 = vector.load %arg3[%get3A, %get3A_0] : memref<1000x2xf32, #tpu.memory_space<vmem>>, vector<1000x1xf32>
    %get3A_2 = vector.shape_cast %get3A_1 : vector<1000x1xf32> to vector<1000xf32>
    %get3A_3 = arith.constant 0 : index
    %get3A_4 = arith.constant 1 : index
    %get3A_5 = vector.load %arg3[%get3A_3, %get3A_4] : memref<1000x2xf32, #tpu.memory_space<vmem>>, vector<1000x1xf32>
    %get3A_6 = vector.shape_cast %get3A_5 : vector<1000x1xf32> to vector<1000xf32>
    %add3A = arith.addf %get3A_2, %get3A_6 : vector<1000xf32>
    %add3A_7 = arith.constant 1.000000e+00 : f32
    %add3A_8 = vector.broadcast %add3A_7 : f32 to vector<1000xf32>
    %add3A_9 = arith.addf %add3A, %add3A_8 : vector<1000xf32>
    %rsqrt3A = math.rsqrt %add3A_9 : vector<1000xf32>
    %get3A_10 = arith.constant 0 : index
    %get3A_11 = arith.constant 0 : index
    %get3A_12 = vector.load %arg1[%get3A_10, %get3A_11] : memref<1000x128xf32, #tpu.memory_space<vmem>>, vector<1000x128xf32>
    %get3A_13 = arith.constant 0 : index
    %get3A_14 = arith.constant 0 : index
    %get3A_15 = vector.load %arg2[%get3A_13, %get3A_14] : memref<128x64xf32, #tpu.memory_space<vmem>>, vector<128x64xf32>
    %dot_general3A = arith.constant dense<0.000000e+00> : vector<1000x64xf32>
    %dot_general3A_16 = tpu.matmul %get3A_12, %get3A_15, %dot_general3A {dimension_numbers = #tpu.dot_dimension_numbers<[1], [0], [0], [1], [0, 0, 1, 1], [], []>, transpose_lhs_hint = false} : vector<1000x128xf32>, vector<128x64xf32>, vector<1000x64xf32> -> vector<1000x64xf32>
    %broadcast_in_dim3A = vector.shape_cast %rsqrt3A : vector<1000xf32> to vector<1000x1xf32>
    %mul3A = vector.broadcast %broadcast_in_dim3A : vector<1000x1xf32> to vector<1000x64xf32>
    %mul3A_17 = arith.mulf %dot_general3A_16, %mul3A : vector<1000x64xf32>
    %swap3A = arith.constant 0 : index
    %swap3A_18 = arith.constant 0 : index
    %swap3A_19 = vector.load %arg4[%swap3A, %swap3A_18] : memref<1000x64xf32, #tpu.memory_space<vmem>>, vector<1000x64xf32>
    tpu.vector_store %arg4[%swap3A, %swap3A_18], %mul3A_17 {strides = array<i32>} : memref<1000x64xf32, #tpu.memory_space<vmem>>, vector<1000x64xf32>,
    %broadcast_in_dim3A_20 = vector.shape_cast %rsqrt3A : vector<1000xf32> to vector<1000x1xf32>
    %swap3A_21 = arith.constant 0 : index
    %swap3A_22 = arith.constant 0 : index
    %swap3A_23 = vector.load %arg5[%swap3A_21, %swap3A_22] : memref<1000x1xf32, #tpu.memory_space<vmem>>, vector<1000x1xf32>
    tpu.vector_store %arg5[%swap3A_21, %swap3A_22], %broadcast_in_dim3A_20 {strides = array<i32>} : memref<1000x1xf32, #tpu.memory_space<vmem>>, vector<1000x1xf32>,
    return
  }
  func.func @transform_0(%arg0: i32) -> (i32, i32) {
    %c0_i32 = arith.constant 0 : i32
    %c0_i32_0 = arith.constant 0 : i32
    return %arg0, %c0_i32 : i32, i32
  }
  func.func @transform_1(%arg0: i32) -> (i32, i32) {
    %c0_i32 = arith.constant 0 : i32
    %c0_i32_0 = arith.constant 0 : i32
    %c0_i32_1 = arith.constant 0 : i32
    return %c0_i32, %c0_i32_0 : i32, i32
  }
  func.func @transform_2(%arg0: i32) -> (i32, i32) {
    %c0_i32 = arith.constant 0 : i32
    %c0_i32_0 = arith.constant 0 : i32
    return %arg0, %c0_i32 : i32, i32
  }
  func.func @transform_3(%arg0: i32) -> (i32, i32) {
    %c0_i32 = arith.constant 0 : i32
    %c0_i32_0 = arith.constant 0 : i32
    return %arg0, %c0_i32 : i32, i32
  }
  func.func @transform_4(%arg0: i32) -> (i32, i32) {
    %c0_i32 = arith.constant 0 : i32
    %c0_i32_0 = arith.constant 0 : i32
    return %arg0, %c0_i32 : i32, i32
  }
}

module attributes {stable_mosaic.version = 14 : i64} {
  func.func @_finish_body(%arg0: i32, %arg1: memref<2x1000x64xf32, #tpu.memory_space<vmem>>, %arg2: memref<1000x64xf32, #tpu.memory_space<vmem>>, %arg3: memref<1000x1xf32, #tpu.memory_space<vmem>>, %arg4: memref<1x64xf32, #tpu.memory_space<vmem>>, %arg5: memref<64x64xf32, #tpu.memory_space<vmem>>, %arg6: memref<1x64xf32, #tpu.memory_space<vmem>>, %arg7: memref<64x64xf32, #tpu.memory_space<vmem>>, %arg8: memref<1x64xf32, #tpu.memory_space<vmem>>, %arg9: memref<64x1xf32, #tpu.memory_space<vmem>>, %arg10: memref<1x1xf32, #tpu.memory_space<vmem>>, %arg11: memref<1x1xf32, #tpu.memory_space<vmem>>, %arg12: memref<1x64xf32, #tpu.memory_space<vmem>>) attributes {dimension_semantics = [#tpu.dimension_semantics<arbitrary>], iteration_bounds = array<i64: 10>, scalar_prefetch = 0 : i64, scratch_operands = 1 : i64, tpu.core_type = #tpu.core_type<tc>, window_params = [{transform_indices = @transform_0, window_bounds = array<i64: 2, 1000, 64>}, {transform_indices = @transform_1, window_bounds = array<i64: 1000, 64>}, {transform_indices = @transform_2, window_bounds = array<i64: 1000, 1>}, {pipeline_mode = #tpu.pipeline_mode<synchronous>, transform_indices = @transform_3, window_bounds = array<i64: 1, 64>}, {pipeline_mode = #tpu.pipeline_mode<synchronous>, transform_indices = @transform_4, window_bounds = array<i64: 64, 64>}, {pipeline_mode = #tpu.pipeline_mode<synchronous>, transform_indices = @transform_5, window_bounds = array<i64: 1, 64>}, {pipeline_mode = #tpu.pipeline_mode<synchronous>, transform_indices = @transform_6, window_bounds = array<i64: 64, 64>}, {pipeline_mode = #tpu.pipeline_mode<synchronous>, transform_indices = @transform_7, window_bounds = array<i64: 1, 64>}, {pipeline_mode = #tpu.pipeline_mode<synchronous>, transform_indices = @transform_8, window_bounds = array<i64: 64, 1>}, {pipeline_mode = #tpu.pipeline_mode<synchronous>, transform_indices = @transform_9, window_bounds = array<i64: 1, 1>}, {pipeline_mode = #tpu.pipeline_mode<synchronous>, transform_indices = @transform_10, window_bounds = array<i64: 1, 1>}]} {
    %get3A = arith.constant 0 : index
    %get3A_0 = arith.constant 0 : index
    %get3A_1 = arith.constant 0 : index
    %get3A_2 = vector.load %arg1[%get3A, %get3A_0, %get3A_1] : memref<2x1000x64xf32, #tpu.memory_space<vmem>>, vector<1x1000x64xf32>
    %get3A_3 = vector.shape_cast %get3A_2 : vector<1x1000x64xf32> to vector<1000x64xf32>
    %get3A_4 = arith.constant 1 : index
    %get3A_5 = arith.constant 0 : index
    %get3A_6 = arith.constant 0 : index
    %get3A_7 = vector.load %arg1[%get3A_4, %get3A_5, %get3A_6] : memref<2x1000x64xf32, #tpu.memory_space<vmem>>, vector<1x1000x64xf32>
    %get3A_8 = vector.shape_cast %get3A_7 : vector<1x1000x64xf32> to vector<1000x64xf32>
    %add3A = arith.addf %get3A_3, %get3A_8 : vector<1000x64xf32>
    %get3A_9 = arith.constant 0 : index
    %get3A_10 = arith.constant 0 : index
    %get3A_11 = vector.load %arg2[%get3A_9, %get3A_10] : memref<1000x64xf32, #tpu.memory_space<vmem>>, vector<1000x64xf32>
    %add3A_12 = arith.addf %add3A, %get3A_11 : vector<1000x64xf32>
    %get3A_13 = arith.constant 0 : index
    %get3A_14 = arith.constant 0 : index
    %get3A_15 = vector.load %arg3[%get3A_13, %get3A_14] : memref<1000x1xf32, #tpu.memory_space<vmem>>, vector<1000x1xf32>
    %mul3A = vector.broadcast %get3A_15 : vector<1000x1xf32> to vector<1000x64xf32>
    %mul3A_16 = arith.mulf %add3A_12, %mul3A : vector<1000x64xf32>
    %get3A_17 = arith.constant 0 : index
    %get3A_18 = arith.constant 0 : index
    %get3A_19 = vector.load %arg4[%get3A_17, %get3A_18] : memref<1x64xf32, #tpu.memory_space<vmem>>, vector<1x64xf32>
    %add3A_20 = vector.broadcast %get3A_19 : vector<1x64xf32> to vector<1000x64xf32>
    %add3A_21 = arith.addf %mul3A_16, %add3A_20 : vector<1000x64xf32>
    %gt3A = arith.constant 0.000000e+00 : f32
    %gt3A_22 = vector.broadcast %gt3A : f32 to vector<1000x64xf32>
    %gt3A_23 = arith.cmpf ogt, %add3A_21, %gt3A_22 : vector<1000x64xf32>
    %mul3A_24 = arith.constant 0.00999999977 : f32
    %mul3A_25 = vector.broadcast %mul3A_24 : f32 to vector<1000x64xf32>
    %mul3A_26 = arith.mulf %mul3A_25, %add3A_21 : vector<1000x64xf32>
    %select_n3A = arith.select %gt3A_23, %add3A_21, %mul3A_26 : vector<1000x64xi1>, vector<1000x64xf32>
    %get3A_27 = arith.constant 0 : index
    %get3A_28 = arith.constant 0 : index
    %get3A_29 = vector.load %arg5[%get3A_27, %get3A_28] : memref<64x64xf32, #tpu.memory_space<vmem>>, vector<64x64xf32>
    %dot_general3A = arith.constant dense<0.000000e+00> : vector<1000x64xf32>
    %dot_general3A_30 = tpu.matmul %select_n3A, %get3A_29, %dot_general3A {dimension_numbers = #tpu.dot_dimension_numbers<[1], [0], [0], [1], [0, 0, 1, 1], [], []>, transpose_lhs_hint = false} : vector<1000x64xf32>, vector<64x64xf32>, vector<1000x64xf32> -> vector<1000x64xf32>
    %get3A_31 = arith.constant 0 : index
    %get3A_32 = arith.constant 0 : index
    %get3A_33 = vector.load %arg6[%get3A_31, %get3A_32] : memref<1x64xf32, #tpu.memory_space<vmem>>, vector<1x64xf32>
    %add3A_34 = vector.broadcast %get3A_33 : vector<1x64xf32> to vector<1000x64xf32>
    %add3A_35 = arith.addf %dot_general3A_30, %add3A_34 : vector<1000x64xf32>
    %max3A = arith.constant 0.000000e+00 : f32
    %max3A_36 = vector.broadcast %max3A : f32 to vector<1000x64xf32>
    %max3A_37 = arith.maximumf %add3A_35, %max3A_36 : vector<1000x64xf32>
    %get3A_38 = arith.constant 0 : index
    %get3A_39 = arith.constant 0 : index
    %get3A_40 = vector.load %arg7[%get3A_38, %get3A_39] : memref<64x64xf32, #tpu.memory_space<vmem>>, vector<64x64xf32>
    %dot_general3A_41 = arith.constant dense<0.000000e+00> : vector<1000x64xf32>
    %dot_general3A_42 = tpu.matmul %max3A_37, %get3A_40, %dot_general3A_41 {dimension_numbers = #tpu.dot_dimension_numbers<[1], [0], [0], [1], [0, 0, 1, 1], [], []>, transpose_lhs_hint = false} : vector<1000x64xf32>, vector<64x64xf32>, vector<1000x64xf32> -> vector<1000x64xf32>
    %get3A_43 = arith.constant 0 : index
    %get3A_44 = arith.constant 0 : index
    %get3A_45 = vector.load %arg8[%get3A_43, %get3A_44] : memref<1x64xf32, #tpu.memory_space<vmem>>, vector<1x64xf32>
    %add3A_46 = vector.broadcast %get3A_45 : vector<1x64xf32> to vector<1000x64xf32>
    %add3A_47 = arith.addf %dot_general3A_42, %add3A_46 : vector<1000x64xf32>
    %max3A_48 = arith.constant 0.000000e+00 : f32
    %max3A_49 = vector.broadcast %max3A_48 : f32 to vector<1000x64xf32>
    %max3A_50 = arith.maximumf %add3A_47, %max3A_49 : vector<1000x64xf32>
    %reduce_sum3A = arith.constant dense<0.000000e+00> : vector<64xf32>
    %reduce_sum3A_51 = vector.multi_reduction <add>, %max3A_50, %reduce_sum3A [0] : vector<1000x64xf32> to vector<64xf32>
    %broadcast_in_dim3A = vector.shape_cast %reduce_sum3A_51 : vector<64xf32> to vector<1x64xf32>
    %eq3A = arith.constant 0 : i32
    %eq3A_52 = arith.cmpi eq, %arg0, %eq3A : i32
    %convert_element_type3A = arith.extui %eq3A_52 : i1 to i32
    %cond3A = arith.constant 0 : i32
    %cond3A_53 = arith.cmpi ne, %convert_element_type3A, %cond3A : i32
    scf.if %cond3A_53 {
      %broadcast_in_dim3A_65 = arith.constant 0.000000e+00 : f32
      %broadcast_in_dim3A_66 = vector.broadcast %broadcast_in_dim3A_65 : f32 to vector<1x64xf32>
      %swap3A_67 = arith.constant 0 : index
      %swap3A_68 = arith.constant 0 : index
      %swap3A_69 = vector.load %arg12[%swap3A_67, %swap3A_68] : memref<1x64xf32, #tpu.memory_space<vmem>>, vector<1x64xf32>
      tpu.vector_store %arg12[%swap3A_67, %swap3A_68], %broadcast_in_dim3A_66 {strides = array<i32>} : memref<1x64xf32, #tpu.memory_space<vmem>>, vector<1x64xf32>,
    } else {
    }
    %get3A_54 = arith.constant 0 : index
    %get3A_55 = arith.constant 0 : index
    %get3A_56 = vector.load %arg12[%get3A_54, %get3A_55] : memref<1x64xf32, #tpu.memory_space<vmem>>, vector<1x64xf32>
    %add3A_57 = arith.addf %get3A_56, %broadcast_in_dim3A : vector<1x64xf32>
    %swap3A = arith.constant 0 : index
    %swap3A_58 = arith.constant 0 : index
    %swap3A_59 = vector.load %arg12[%swap3A, %swap3A_58] : memref<1x64xf32, #tpu.memory_space<vmem>>, vector<1x64xf32>
    tpu.vector_store %arg12[%swap3A, %swap3A_58], %add3A_57 {strides = array<i32>} : memref<1x64xf32, #tpu.memory_space<vmem>>, vector<1x64xf32>,
    %eq3A_60 = arith.constant 9 : i32
    %eq3A_61 = arith.cmpi eq, %arg0, %eq3A_60 : i32
    %convert_element_type3A_62 = arith.extui %eq3A_61 : i1 to i32
    %cond3A_63 = arith.constant 0 : i32
    %cond3A_64 = arith.cmpi ne, %convert_element_type3A_62, %cond3A_63 : i32
    scf.if %cond3A_64 {
      %get3A_65 = arith.constant 0 : index
      %get3A_66 = arith.constant 0 : index
      %get3A_67 = vector.load %arg12[%get3A_65, %get3A_66] : memref<1x64xf32, #tpu.memory_space<vmem>>, vector<1x64xf32>
      %mul3A_68 = arith.constant 9.99999974E-5 : f32
      %mul3A_69 = vector.broadcast %mul3A_68 : f32 to vector<1x64xf32>
      %mul3A_70 = arith.mulf %get3A_67, %mul3A_69 : vector<1x64xf32>
      %get3A_71 = arith.constant 0 : index
      %get3A_72 = arith.constant 0 : index
      %get3A_73 = vector.load %arg9[%get3A_71, %get3A_72] : memref<64x1xf32, #tpu.memory_space<vmem>>, vector<64x1xf32>
      %dot_general3A_74 = arith.constant dense<0.000000e+00> : vector<1x1xf32>
      %dot_general3A_75 = tpu.matmul %mul3A_70, %get3A_73, %dot_general3A_74 {dimension_numbers = #tpu.dot_dimension_numbers<[1], [0], [0], [1], [0, 0, 1, 1], [], []>, transpose_lhs_hint = false} : vector<1x64xf32>, vector<64x1xf32>, vector<1x1xf32> -> vector<1x1xf32>
      %get3A_76 = arith.constant 0 : index
      %get3A_77 = arith.constant 0 : index
      %get3A_78 = vector.load %arg10[%get3A_76, %get3A_77] : memref<1x1xf32, #tpu.memory_space<vmem>>, vector<1x1xf32>
      %add3A_79 = arith.addf %dot_general3A_75, %get3A_78 : vector<1x1xf32>
      %logistic3A = arith.negf %add3A_79 : vector<1x1xf32>
      %logistic3A_80 = math.exp %logistic3A : vector<1x1xf32>
      %logistic3A_81 = arith.constant 1.000000e+00 : f32
      %logistic3A_82 = vector.broadcast %logistic3A_81 : f32 to vector<1x1xf32>
      %logistic3A_83 = arith.addf %logistic3A_82, %logistic3A_80 : vector<1x1xf32>
      %logistic3A_84 = arith.divf %logistic3A_82, %logistic3A_83 : vector<1x1xf32>
      %swap3A_85 = arith.constant 0 : index
      %swap3A_86 = arith.constant 0 : index
      %swap3A_87 = vector.load %arg11[%swap3A_85, %swap3A_86] : memref<1x1xf32, #tpu.memory_space<vmem>>, vector<1x1xf32>
      tpu.vector_store %arg11[%swap3A_85, %swap3A_86], %logistic3A_84 {strides = array<i32>} : memref<1x1xf32, #tpu.memory_space<vmem>>, vector<1x1xf32>,
    } else {
    }
    return
  }
  func.func @transform_0(%arg0: i32) -> (i32, i32, i32) {
    %c0_i32 = arith.constant 0 : i32
    %c0_i32_0 = arith.constant 0 : i32
    %c0_i32_1 = arith.constant 0 : i32
    return %c0_i32, %arg0, %c0_i32_0 : i32, i32, i32
  }
  func.func @transform_1(%arg0: i32) -> (i32, i32) {
    %c0_i32 = arith.constant 0 : i32
    %c0_i32_0 = arith.constant 0 : i32
    return %arg0, %c0_i32 : i32, i32
  }
  func.func @transform_2(%arg0: i32) -> (i32, i32) {
    %c0_i32 = arith.constant 0 : i32
    %c0_i32_0 = arith.constant 0 : i32
    return %arg0, %c0_i32 : i32, i32
  }
  func.func @transform_3(%arg0: i32) -> (i32, i32) {
    %c0_i32 = arith.constant 0 : i32
    %c0_i32_0 = arith.constant 0 : i32
    %c0_i32_1 = arith.constant 0 : i32
    return %c0_i32, %c0_i32_0 : i32, i32
  }
  func.func @transform_4(%arg0: i32) -> (i32, i32) {
    %c0_i32 = arith.constant 0 : i32
    %c0_i32_0 = arith.constant 0 : i32
    %c0_i32_1 = arith.constant 0 : i32
    return %c0_i32, %c0_i32_0 : i32, i32
  }
  func.func @transform_5(%arg0: i32) -> (i32, i32) {
    %c0_i32 = arith.constant 0 : i32
    %c0_i32_0 = arith.constant 0 : i32
    %c0_i32_1 = arith.constant 0 : i32
    return %c0_i32, %c0_i32_0 : i32, i32
  }
  func.func @transform_6(%arg0: i32) -> (i32, i32) {
    %c0_i32 = arith.constant 0 : i32
    %c0_i32_0 = arith.constant 0 : i32
    %c0_i32_1 = arith.constant 0 : i32
    return %c0_i32, %c0_i32_0 : i32, i32
  }
  func.func @transform_7(%arg0: i32) -> (i32, i32) {
    %c0_i32 = arith.constant 0 : i32
    %c0_i32_0 = arith.constant 0 : i32
    %c0_i32_1 = arith.constant 0 : i32
    return %c0_i32, %c0_i32_0 : i32, i32
  }
  func.func @transform_8(%arg0: i32) -> (i32, i32) {
    %c0_i32 = arith.constant 0 : i32
    %c0_i32_0 = arith.constant 0 : i32
    %c0_i32_1 = arith.constant 0 : i32
    return %c0_i32, %c0_i32_0 : i32, i32
  }
  func.func @transform_9(%arg0: i32) -> (i32, i32) {
    %c0_i32 = arith.constant 0 : i32
    %c0_i32_0 = arith.constant 0 : i32
    %c0_i32_1 = arith.constant 0 : i32
    return %c0_i32, %c0_i32_0 : i32, i32
  }
  func.func @transform_10(%arg0: i32) -> (i32, i32) {
    %c0_i32 = arith.constant 0 : i32
    %c0_i32_0 = arith.constant 0 : i32
    %c0_i32_1 = arith.constant 0 : i32
    return %c0_i32, %c0_i32_0 : i32, i32
  }
}

</mosaic_0001>

<sc_bundles>
// kernel: kernel.6.cloned.1.call-start
scs
__scs_entry_jumppad:
0x0: {  	(pc) =	sbr.rel $0x88, $3  }
0x1: {  	(tag) =	ssettag $0x0;
	lr =	simm.s32 $0x1  }
0x2: {  	[smem:$0x3F97] =	sst lr;
	_ =	strace $0xD0000000  }
0x3: {  	_ = 	snop  }
0x4: {  	_ = 	snop  }
0x5: {  	_ = 	snop  }
0x6: {  	_ = 	snop  }
0x7: {  	_ = 	snop  }
__scs_overlays_trampoline_lowered:
0x8: {  	[smem:$0x3FA6] =	sst s0  }
0x9: {  	[smem:$0x3FA7] =	sst s1  }
0xa: {  	[smem:$0x3FA8] =	sst s2  }
0xb: {  	[smem:$0x3FA9] =	sst s3  }
0xc: {  	[smem:$0x3FAA] =	sst s4  }
0xd: {  	[smem:$0x3FAB] =	sst s5  }
0xe: {  	[smem:$0x3FAC] =	sst s6  }
0xf: {  	[smem:$0x3FAD] =	sst s7  }
0x10: {  	[smem:$0x3FAE] =	sst s8  }
0x11: {  	[smem:$0x3FAF] =	sst s9;
	s0 =	simm.s32 @!p0 $0x0  }
0x12: {  	s1 =	sld [smem:$0x3F95];
	s0 =	simm.s32 @p0 $0x1  }
0x13: {  	[smem:$0x3FB0] =	sst s0;
	s0 =	simm.s32 @!p1 $0x0  }
0x14: {  	s2 =	sld [smem:$0x3F94];
	s0 =	simm.s32 @p1 $0x1  }
0x15: {  	[smem:$0x3FB1] =	sst s0;
	s0 =	simm.s32 @!p2 $0x0  }
0x16: {  	s3 =	sld [smem:$0x3FDB];
	s0 =	simm.s32 @p2 $0x1  }
0x17: {  	s4 =	simm.s32 $0x1BF5;
	[smem:$0x3FB3] =	sst s0  }
0x18: {  	s0 =	sld [smem:$0x3F96];
	_ =	swait.ge [sflag:s4], $0x0  }
0x19: {  	s7 =	sld [smem:$0x3F97]  }
0x1a: {  	s8 =	sadd.s32 $0xFFFFE003, lr  }
0x1b: {  	s9 =	sadd.s32 $0xFFFFFEF7, lr;
	s5 =	simm.s32 $0xFFFFFFFF;
	p2 =	slt.u32 s8, $0xFFFFF086  }
0x1c: {  	p1 =	slt.u32 s9, $0xF7A;
	s5 =	simm.s32 @!p2 $0x0  }
0x1d: {  	s5 =	simm.s32 @p1 $0x1;
	p0 =	seq.s32 s7, s2  }
0x1e: {  	s7 =	smul.u32 @!p0 $0xF7A, s2;
	p2 =	seq.s32 @!p0 s5, $0x0  }
0x1f: {  	s9 =	smul.u32 $0xF7A, s1;
	s8 =	simm.s32 @!p0 $0x1BF5;
	p2 =	por !p2, p0  }
0x20: {  	[sflag:s8] =	ssyncset.s32 @!p0 $0xFFFFF086;
	s6 =	sadd.s32 @!p0 s3, s7;
	s7 =	simm.s32 @!p0 $0x108  }
0x21: {  	s3 =	sadd.s32 s3, s9;
	s6 =	sadd.s32 @!p0 $0x88, s6;
	s7 =	simm.s32 @p2 $0x1082  }
0x22: {  	[simem:s7], [sflag:s8] =	dma.local @!p0 [hbm:s6], $0xF7A  }
0x23: {  	s9 =	sor.u32 $0xD0000000, s2;
	s6 =	simm.s32 $0x108;
	_ =	swait.ge @!p0 [sflag:s8], $0x0  }
0x24: {  	s3 =	sadd.s32 $0x88, s3;
	s6 =	simm.s32 @!p1 $0x1082;
	[sflag:s4] =	ssyncset.s32 $0xFFFFF086  }
0x25: {  	[simem:s6], [sflag:s4] =	dma.local [hbm:s3], $0xF7A  }
0x26: {  	[smem:$0x3F97] =	sst s1;
	(tag) =	ssettag s2;
	_ =	strace s9  }
0x27: {  	s1 =	sld [smem:$0x3FA7]  }
0x28: {  	s2 =	sld [smem:$0x3FA8]  }
0x29: {  	s4 =	sld [smem:$0x3FAA]  }
0x2a: {  	p0 =	seq.s32 s5, $0x0;
	s5 =	sld [smem:$0x3FAB]  }
0x2b: {  	s6 =	sld [smem:$0x3FAC]  }
0x2c: {  	s7 =	sld [smem:$0x3FAD]  }
0x2d: {  	s3 =	simm.s32 $0x108;
	s8 =	sld [smem:$0x3FAE]  }
0x2e: {  	s3 =	simm.s32 @!p0 $0x1082;
	s9 =	sld [smem:$0x3FAF]  }
0x2f: {  	lr =	sadd.s32 s0, s3;
	s0 =	sld [smem:$0x3FA6]  }
0x30: {  	s3 =	sld [smem:$0x3FA9]  }
0x31: {  	[smem:$0x3FB2] =	sst s10  }
0x32: {  	s10 =	sld [smem:$0x3FB0];
	_ =	sdelay $0x3  }
0x33: {  	p0 =	seq.s32 s10, $0x1;
	s10 =	sld [smem:$0x3FB2];
	_ =	sdelay $0x3  }
0x34: {  	[smem:$0x3FB2] =	sst s10  }
0x35: {  	s10 =	sld [smem:$0x3FB1];
	_ =	sdelay $0x3  }
0x36: {  	p1 =	seq.s32 s10, $0x1;
	s10 =	sld [smem:$0x3FB2];
	_ =	sdelay $0x3  }
0x37: {  	[smem:$0x3FB2] =	sst s10  }
0x38: {  	s10 =	sld [smem:$0x3FB3]  }
0x39: {  	_ = 	snop;
	(pc) =	sbr.ind lr, $3  }
0x3a: {  	_ = 	snop  }
0x3b: {  	_ = 	snop  }
0x3c: {  	p2 =	seq.s32 s10, $0x1;
	s10 =	sld [smem:$0x3FB2]  }
0x3d: {  	_ =	shalt  }
0x3e: {  	_ =	shalt  }
0x3f: {  	_ =	shalt  }
0x40: {  	_ =	shalt  }
0x41: {  	_ =	shalt  }
0x42: {  	_ =	shalt  }
0x43: {  	_ =	shalt  }
0x44: {  	_ =	shalt  }
0x45: {  	_ =	shalt  }
0x46: {  	_ =	shalt  }
0x47: {  	_ =	shalt  }
0x48: {  	_ =	shalt  }
0x49: {  	_ =	shalt  }
0x4a: {  	_ =	shalt  }
0x4b: {  	_ =	shalt  }
0x4c: {  	_ =	shalt  }
0x4d: {  	_ =	shalt  }
0x4e: {  	_ =	shalt  }
0x4f: {  	_ =	shalt  }
0x50: {  	_ =	shalt  }
0x51: {  	_ =	shalt  }
0x52: {  	_ =	shalt  }
0x53: {  	_ =	shalt  }
0x54: {  	_ =	shalt  }
0x55: {  	_ =	shalt  }
0x56: {  	_ =	shalt  }
0x57: {  	_ =	shalt  }
0x58: {  	_ =	shalt  }
0x59: {  	_ =	shalt  }
0x5a: {  	_ =	shalt  }
0x5b: {  	_ =	shalt  }
0x5c: {  	_ =	shalt  }
0x5d: {  	_ =	shalt  }
0x5e: {  	_ =	shalt  }
0x5f: {  	_ =	shalt  }
0x60: {  	_ =	shalt  }
0x61: {  	_ =	shalt  }
0x62: {  	_ =	shalt  }
0x63: {  	_ =	shalt  }
0x64: {  	_ =	shalt  }
0x65: {  	_ =	shalt  }
0x66: {  	_ =	shalt  }
0x67: {  	_ =	shalt  }
0x68: {  	_ =	shalt  }
0x69: {  	_ =	shalt  }
0x6a: {  	_ =	shalt  }
0x6b: {  	_ =	shalt  }
0x6c: {  	_ =	shalt  }
0x6d: {  	_ =	shalt  }
0x6e: {  	_ =	shalt  }
0x6f: {  	_ =	shalt  }
0x70: {  	_ =	shalt  }
0x71: {  	_ =	shalt  }
0x72: {  	_ =	shalt  }
0x73: {  	_ =	shalt  }
0x74: {  	_ =	shalt  }
0x75: {  	_ =	shalt  }
0x76: {  	_ =	shalt  }
0x77: {  	_ =	shalt  }
0x78: {  	_ =	shalt  }
0x79: {  	_ =	shalt  }
0x7a: {  	_ =	shalt  }
0x7b: {  	_ =	shalt  }
0x7c: {  	_ =	shalt  }
0x7d: {  	_ =	shalt  }
0x7e: {  	_ =	shalt  }
0x7f: {  	_ =	shalt  }
0x80: {  	_ =	shalt  }
0x81: {  	_ =	shalt  }
0x82: {  	_ =	shalt  }
0x83: {  	_ =	shalt  }
0x84: {  	_ =	shalt  }
0x85: {  	_ =	shalt  }
0x86: {  	_ =	shalt  }
0x87: {  	_ =	shalt  }
.Lfunc_end0:
.L_simem_size_0:
called_computation_lowered:
.L_overlay_start_0:
0x88: {  	s2 =	sld [smem:$0x3FD9]  }
0x89: {  	s3 =	sld [smem:$0x3FFE];
	_ =	sdelay $0x1  }
0x8a: {  	s1 =	srdreg.scid  }
0x8b: {  	s0 =	sand.u32 $0x1, s1  }
0x8c: {  	s16 =	sshll.u32 s0, $0xA;
	s2 =	sadd.s32 s3, s2  }
0x8d: {  	s2 =	sadd.s32 s2, s16  }
0x8e: {  	[smem:$0x3FBE] =	sst s2  }
0x8f: {  	_ = 	snop  }
0x90: {  	(tm) =	ssettm $0x1  }
0x91: {  	s17 =	sld [smem:$0x3FFB];
	_ =	sdelay $0x3  }
0x92: {  	_ =	strace s17  }
0x93: {  	s2 =	sld [smem:$0x3FFC];
	_ =	sdelay $0x3  }
0x94: {  	_ =	strace s2  }
0x95: {  	s2 =	sld [smem:$0x3FFD];
	_ =	sdelay $0x3  }
0x96: {  	_ =	strace s2  }
0x97: {  	_ =	strace $0x8FFFFFFF  }
0x98: {  	s18 =	sld [smem:$0x3FDB];
	_ =	sdelay $0x1  }
0x99: {  	s19 =	simm.s32 $_scs_section_size  }
0x9a: {  	s4 =	simm.s32 $_size__tile_overlayer_lowered;
	s5 =	simm.s32 $_tile_overlayer_lowered  }
0x9b: {  	s22 =	simm.s32 $0x1BFF;
	s21 =	sshll.u32 s5, $0x1;
	s2 =	sadd.s32 s19, s18  }
0x9c: {  	s6 =	simm.s32 $0x0;
	s20 =	sshll.u32 s4, $0x1;
	s4 =	sadd.s32 s21, s2  }
0x9d: {  	[timem:s6], [sflag:s22] =	dma.local [hbm:s4], s20  }
0x9e: {  	_ =	swait.ge [sflag:s22], s20  }
0x9f: {  	s3 =	ssub.s32 $0x0, s20;
	[sflag:s22] =	ssyncset.done $0x0  }
0xa0: {  	[sflag:s22] =	ssyncadd.s32 s3;
	_ =	sdelay $0x1  }
0xa1: {  	s23 =	simm.s32 $0x1B8B  }
0xa2: {  	_ =	swait.ge [sflag:s23], $0x1  }
0xa3: {  	[sflag:s23] =	ssyncset.done $0x0  }
0xa4: {  	s25 =	simm.s32 $0x1B8E;
	s24 =	sld [smem:$0x3FFE];
	[sflag:s23] =	ssyncadd.s32 $0xFFFFFFFF  }
0xa5: {  	s26 =	simm.s32 $execute0_lowered;
	[smem:$0x3FD2] =	sst s25  }
0xa6: {  	s4 =	sshll.u32 s26, $0x1;
	_ =	strace $0x80000046;
	[dreg:$0x1] =	wrdreg $0xFFFFFFFF  }
0xa7: {  	s28 =	simm.s32 $_size_execute0_lowered;
	s2 =	sadd.s32 s2, s4;
	[dreg:$0x0] =	wrdreg $0x0  }
0xa8: {  	s4 =	sshll.u32 s28, $0x1;
	[dreg:$0x2] =	wrdreg s2  }
0xa9: {  	[dreg:$0x3] =	wrdreg s4  }
0xaa: {  	[dreg:$0x4] =	wrdreg $0xC0  }
0xab: {  	_ =	task [dreg:s6], $0x5FFFF  }
0xac: {  	[dreg:$0x1] =	wrdreg $0xFFFFFFFF  }
0xad: {  	[dreg:$0x0] =	wrdreg $0x60  }
0xae: {  	[dreg:$0x2] =	wrdreg s24  }
0xaf: {  	[dreg:$0x3] =	wrdreg $0x28800  }
0xb0: {  	[dreg:$0x4] =	wrdreg $0x9  }
0xb1: {  	_ =	task.clear_ibuf [dreg:s6], $0x5FFFF;
	_ =	strace $0x90000046  }
0xb2: {  	s29 =	simm.s32 $0x9;
	_ =	strace $0x80000048  }
0xb3: {  	_ =	swait.ge [sflag:s29], $0x1  }
0xb4: {  	[sflag:s29] =	ssyncadd.s32 $0xFFFFFFFF  }
0xb5: {  	_ =	strace $0x90000048  }
0xb6: {  	_ =	sfence  }
0xb7: {  	s30 =	sld [smem:$0x0];
	_ =	sdelay $0x2  }
0xb8: {  	s31 =	sshll.u32 s1, $0xD;
	s1 =	sshrl.u32 s1, $0x2  }
0xb9: {  	s3 =	sand.u32 $0x4000, s31;
	s1 =	sadd.s32 s1, s30  }
0xba: {  	s0 =	sor.u32 s3, s0;
	s1 =	sshll.u32 s1, $0x11  }
0xbb: {  	s0 =	sor.u32 s1, s0  }
0xbc: {  	s0 =	sadd.s32 $0x8F2B, s0  }
0xbd: {  	[sflag:s0] =	ssyncadd.remote.s32 $0x1  }
0xbe: {  	_ =	sfence.sel $0xFFFF  }
0xbf: {  	[dreg:$0x0] =	wrdreg $0xFFFFFFFF;
	(pc) =	sbr.abs _section_cstart, $3  }
0xc0: {  	[dreg:$0x1] =	wrdreg $0xFFFFFFFF  }
0xc1: {  	_ =	task.clear_ibuf [dreg:s6], $0x2FFFF;
	_ =	strace $0x9FFFFFFF  }
0xc2: {  	(tm) =	ssettm $0x7FFFFFFF  }
0xc3: {  	_ =	shalt  }
tec
execute0_lowered:
.L_overlay_start_1:
0x0: {  	(tag) =	ssettag $0x1  }
0x1: {  	s5 =	rddreg [dreg:$0x0]  }
0x2: {  	s2 =	rddreg [dreg:$0x1]  }
0x3: {  	s0 =	rddreg [dreg:$0x2]  }
0x4: {  	s1 =	stileid.u32;
	s4 =	srdreg.scid;
	s3 =	simm.s32 $0x0  }
0x5: {  	s12 =	simm.s32 $0x2800;
	s13 =	simm.s32 $0x0;
	s6 =	smul.u32 $0x280, s1  }
0x6: {  	s4 =	sand.u32 $0x1, s4;
	[smem:$0x7FF] =	sst s3;
	s31 =	sshll.u32 s1, $0x6  }
0x7: {  	s7 =	smul.u32 $0x2800, s4;
	_ =	strace $0x80000047;
	s8 =	sshll.u32 s4, $0x4  }
0x8: {  	s4 =	ssub.s32 $0x2, s4;
	s9 =	sshrl.u32 s6, $0x3;
	s8 =	sor.u32 s1, s8  }
0x9: {  	s10 =	sshrl.u32 s4, $0x1;
	s11 =	sadd.s32 s6, s2;
	s7 =	sadd.s32 s6, s7  }
0xa: {  	s8 =	smul.u32 $0x2800, s8;
	s9 =	sadd.s32 s9, s5;
	s10 =	ssub.s32 s4, s10  }
0xb: {  	s7 =	sshrl.u32 s7, $0x3;
	s4 =	sadd.s32 $0x16000, s9;
	s9 =	sshrl.u32 s11, $0x3  }
0xc: {  	s11 =	simm.s32 $0x7D;
	s7 =	sadd.s32 s7, s5;
	s30 =	sshrl.u32 s8, $0x3  }
0xd: {  	s8 =	smax.u32 s10, $0x1;
	s10 =	simm.s32 $0x1;
	s6 =	sadd.s32 s5, s30  }
0xe: {  	v0 =	vimm.f32 $1.000000000e+00;
	s5 =	sor.u32 $0x1C01, s31;
	s7 =	sadd.s32 $0x16600, s7;
	s6 =	sadd.s32 $0xC000, s6  }
.LBB2_1:
0xf: {  	[spmem:s9], [sflag:s5] =	dma.local [hbm:s4], $0x50  }
0x10: {  	_ =	swait.ge [sflag:s10], $0x50  }
0x11: {  	[sflag:s10] =	ssyncset.done $0x0  }
0x12: {  	[sflag:s10] =	ssyncadd.s32 $0xFFFFFFB0  }
0x13: {  	[tilespmem:s3], [sflag:$0x1] =	stream.linear.gather [hbm4b:s6+s3], $0x2800, $0x38;
	[tilespmem:$0x2B00] =	vst v63  }
0x14: {  	_ =	swait.ge [sflag:s10], $0x2800  }
0x15: {  	[sflag:s10] =	ssyncset.done $0x0  }
0x16: {  	[sflag:s10] =	ssyncadd.s32 $0xFFFFD800  }
0x17: {  	[tilespmem:$0x2800] =	vst v0  }
0x18: {  	[tilespmem:$0x2810] =	vst v0  }
0x19: {  	[tilespmem:$0x2820] =	vst v0  }
0x1a: {  	[tilespmem:$0x2830] =	vst v0  }
0x1b: {  	[tilespmem:$0x2840] =	vst v0  }
0x1c: {  	[tilespmem:$0x2850] =	vst v0  }
0x1d: {  	[tilespmem:$0x2860] =	vst v0  }
0x1e: {  	[tilespmem:$0x2870] =	vst v0  }
0x1f: {  	s14 =	simm.s32 $0x0;
	[bflag:$0x0] =	sbarrier.arrive $0xFFFF  }
0x20: {  	[spmem:s2] =	stream.indirect.scatter.add.f32 [tilespmem:s12], [sflag:$0x1], $0x1, s14, s11, $0xb8;
	[tilespmem:$0x2B00] =	vst v63  }
0x21: {  	_ =	swait.ge [sflag:s10], $0x7D  }
0x22: {  	s14 =	simm.s32 $0x200;
	[sflag:s10] =	ssyncset.done $0x0  }
.LBB2_2:
0x23: {  	s15 =	sshra.s32 s14, $0x2;
	[sflag:s10] =	ssyncadd.s32 $0xFFFFFF83;
	p0 =	sne.s32 s14, $0x9E00  }
0x24: {  	[spmem:s2] =	stream.indirect.scatter.add.f32 [tilespmem:s12], [sflag:$0x1], $0x1, s15, s11, $0xb8;
	[tilespmem:$0x2B00] =	vst v63  }
.Ltmp0:
0x25: {  	_ = 	snop;
	(pc) =	sbr.rel @p0 .LBB2_2-.Ltmp0, $4  }
0x26: {  	_ = 	snop  }
0x27: {  	s14 =	sadd.s32 $0x200, s14  }
0x28: {  	_ =	swait.ge [sflag:s10], $0x7D  }
0x29: {  	[sflag:s10] =	ssyncset.done $0x0  }
0x2a: {  	s13 =	sadd.s32 $0x1, s13  }
0x2b: {  	[sflag:s10] =	ssyncadd.s32 $0xFFFFFF83;
	p0 =	sne.s32 s13, s8  }
.Ltmp1:
0x2c: {  	[bflag:$0x0] =	sbarrier.arrive $0xFFFF;
	(pc) =	sbr.rel @p0 .LBB2_1-.Ltmp1, $4  }
0x2d: {  	[hbm:s7], [sflag:s5] =	dma.local [spmem:s9], $0x50  }
0x2e: {  	_ =	swait.ge [sflag:s10], $0x50  }
0x2f: {  	[sflag:s10] =	ssyncset.done $0x0  }
0x30: {  	[sflag:s10] =	ssyncadd.s32 $0xFFFFFFB0  }
0x31: {  	_ =	sfence.sel $0x180000  }
0x32: {  	[bflag:$0x0] =	sbarrier.arrive $0xFFFF  }
0x33: {  	p0 =	sne.s32 s1, $0x0;
	_ =	strace $0x90000047  }
0x34: {  	s0 =	sadd.s32 @!p0 $0x100000, s0;
	[bflag:$0x2] =	sbarrier.arrive $0xFFFF  }
0x35: {  	[sflag:s0] =	ssyncadd.tile.s32 @!p0 $0x1;
	_ =	shalt  }
.Lfunc_end2:
_tile_overlayer_lowered:
.L_overlay_start_2:
0x36: {  	(tag) =	ssettag $0x2  }
0x37: {  	s0 =	rddreg [dreg:$0x0];
	s2 =	stileid.u32  }
0x38: {  	s1 =	rddreg [dreg:$0x1];
	p0 =	sne.s32 s2, $0x0  }
0x39: {  	s3 =	rddreg [dreg:$0x2];
	[bflag:$0x3] =	sbarrier.arrive $0xFFFF;
	s2 =	simm.s32 @!p0 $0x1C01  }
0x3a: {  	[timem:s3], [sflag:s2] =	dma.local @!p0 [hbm:s0], s1  }
0x3b: {  	s0 =	simm.s32 @!p0 $0x1  }
0x3c: {  	_ =	swait.ge @!p0 [sflag:s0], s1  }
0x3d: {  	s1 =	ssub.s32 @!p0 $0x0, s1;
	[sflag:s0] =	ssyncset.done @!p0 $0x0  }
0x3e: {  	[sflag:s0] =	ssyncadd.s32 @!p0 s1  }
0x3f: {  	[bflag:$0x3] =	sbarrier.arrive $0xFFFF  }
0x40: {  	_ =	shalt  }

// kernel: kernel.9.cloned.1.call-start
scs
__scs_entry_jumppad:
0x0: {  	(pc) =	sbr.rel $0x88, $3  }
0x1: {  	(tag) =	ssettag $0x0;
	lr =	simm.s32 $0x1  }
0x2: {  	[smem:$0x3F97] =	sst lr;
	_ =	strace $0xD0000000  }
0x3: {  	_ = 	snop  }
0x4: {  	_ = 	snop  }
0x5: {  	_ = 	snop  }
0x6: {  	_ = 	snop  }
0x7: {  	_ = 	snop  }
__scs_overlays_trampoline_lowered:
0x8: {  	[smem:$0x3FA6] =	sst s0  }
0x9: {  	[smem:$0x3FA7] =	sst s1  }
0xa: {  	[smem:$0x3FA8] =	sst s2  }
0xb: {  	[smem:$0x3FA9] =	sst s3  }
0xc: {  	[smem:$0x3FAA] =	sst s4  }
0xd: {  	[smem:$0x3FAB] =	sst s5  }
0xe: {  	[smem:$0x3FAC] =	sst s6  }
0xf: {  	[smem:$0x3FAD] =	sst s7  }
0x10: {  	[smem:$0x3FAE] =	sst s8  }
0x11: {  	[smem:$0x3FAF] =	sst s9;
	s0 =	simm.s32 @!p0 $0x0  }
0x12: {  	s1 =	sld [smem:$0x3F95];
	s0 =	simm.s32 @p0 $0x1  }
0x13: {  	[smem:$0x3FB0] =	sst s0;
	s0 =	simm.s32 @!p1 $0x0  }
0x14: {  	s2 =	sld [smem:$0x3F94];
	s0 =	simm.s32 @p1 $0x1  }
0x15: {  	[smem:$0x3FB1] =	sst s0;
	s0 =	simm.s32 @!p2 $0x0  }
0x16: {  	s3 =	sld [smem:$0x3FDB];
	s0 =	simm.s32 @p2 $0x1  }
0x17: {  	s4 =	simm.s32 $0x1BF5;
	[smem:$0x3FB3] =	sst s0  }
0x18: {  	s0 =	sld [smem:$0x3F96];
	_ =	swait.ge [sflag:s4], $0x0  }
0x19: {  	s7 =	sld [smem:$0x3F97]  }
0x1a: {  	s8 =	sadd.s32 $0xFFFFE003, lr  }
0x1b: {  	s9 =	sadd.s32 $0xFFFFFEF7, lr;
	s5 =	simm.s32 $0xFFFFFFFF;
	p2 =	slt.u32 s8, $0xFFFFF086  }
0x1c: {  	p1 =	slt.u32 s9, $0xF7A;
	s5 =	simm.s32 @!p2 $0x0  }
0x1d: {  	s5 =	simm.s32 @p1 $0x1;
	p0 =	seq.s32 s7, s2  }
0x1e: {  	s7 =	smul.u32 @!p0 $0xF7A, s2;
	p2 =	seq.s32 @!p0 s5, $0x0  }
0x1f: {  	s9 =	smul.u32 $0xF7A, s1;
	s8 =	simm.s32 @!p0 $0x1BF5;
	p2 =	por !p2, p0  }
0x20: {  	[sflag:s8] =	ssyncset.s32 @!p0 $0xFFFFF086;
	s6 =	sadd.s32 @!p0 s3, s7;
	s7 =	simm.s32 @!p0 $0x108  }
0x21: {  	s3 =	sadd.s32 s3, s9;
	s6 =	sadd.s32 @!p0 $0x88, s6;
	s7 =	simm.s32 @p2 $0x1082  }
0x22: {  	[simem:s7], [sflag:s8] =	dma.local @!p0 [hbm:s6], $0xF7A  }
0x23: {  	s9 =	sor.u32 $0xD0000000, s2;
	s6 =	simm.s32 $0x108;
	_ =	swait.ge @!p0 [sflag:s8], $0x0  }
0x24: {  	s3 =	sadd.s32 $0x88, s3;
	s6 =	simm.s32 @!p1 $0x1082;
	[sflag:s4] =	ssyncset.s32 $0xFFFFF086  }
0x25: {  	[simem:s6], [sflag:s4] =	dma.local [hbm:s3], $0xF7A  }
0x26: {  	[smem:$0x3F97] =	sst s1;
	(tag) =	ssettag s2;
	_ =	strace s9  }
0x27: {  	s1 =	sld [smem:$0x3FA7]  }
0x28: {  	s2 =	sld [smem:$0x3FA8]  }
0x29: {  	s4 =	sld [smem:$0x3FAA]  }
0x2a: {  	p0 =	seq.s32 s5, $0x0;
	s5 =	sld [smem:$0x3FAB]  }
0x2b: {  	s6 =	sld [smem:$0x3FAC]  }
0x2c: {  	s7 =	sld [smem:$0x3FAD]  }
0x2d: {  	s3 =	simm.s32 $0x108;
	s8 =	sld [smem:$0x3FAE]  }
0x2e: {  	s3 =	simm.s32 @!p0 $0x1082;
	s9 =	sld [smem:$0x3FAF]  }
0x2f: {  	lr =	sadd.s32 s0, s3;
	s0 =	sld [smem:$0x3FA6]  }
0x30: {  	s3 =	sld [smem:$0x3FA9]  }
0x31: {  	[smem:$0x3FB2] =	sst s10  }
0x32: {  	s10 =	sld [smem:$0x3FB0];
	_ =	sdelay $0x3  }
0x33: {  	p0 =	seq.s32 s10, $0x1;
	s10 =	sld [smem:$0x3FB2];
	_ =	sdelay $0x3  }
0x34: {  	[smem:$0x3FB2] =	sst s10  }
0x35: {  	s10 =	sld [smem:$0x3FB1];
	_ =	sdelay $0x3  }
0x36: {  	p1 =	seq.s32 s10, $0x1;
	s10 =	sld [smem:$0x3FB2];
	_ =	sdelay $0x3  }
0x37: {  	[smem:$0x3FB2] =	sst s10  }
0x38: {  	s10 =	sld [smem:$0x3FB3]  }
0x39: {  	_ = 	snop;
	(pc) =	sbr.ind lr, $3  }
0x3a: {  	_ = 	snop  }
0x3b: {  	_ = 	snop  }
0x3c: {  	p2 =	seq.s32 s10, $0x1;
	s10 =	sld [smem:$0x3FB2]  }
0x3d: {  	_ =	shalt  }
0x3e: {  	_ =	shalt  }
0x3f: {  	_ =	shalt  }
0x40: {  	_ =	shalt  }
0x41: {  	_ =	shalt  }
0x42: {  	_ =	shalt  }
0x43: {  	_ =	shalt  }
0x44: {  	_ =	shalt  }
0x45: {  	_ =	shalt  }
0x46: {  	_ =	shalt  }
0x47: {  	_ =	shalt  }
0x48: {  	_ =	shalt  }
0x49: {  	_ =	shalt  }
0x4a: {  	_ =	shalt  }
0x4b: {  	_ =	shalt  }
0x4c: {  	_ =	shalt  }
0x4d: {  	_ =	shalt  }
0x4e: {  	_ =	shalt  }
0x4f: {  	_ =	shalt  }
0x50: {  	_ =	shalt  }
0x51: {  	_ =	shalt  }
0x52: {  	_ =	shalt  }
0x53: {  	_ =	shalt  }
0x54: {  	_ =	shalt  }
0x55: {  	_ =	shalt  }
0x56: {  	_ =	shalt  }
0x57: {  	_ =	shalt  }
0x58: {  	_ =	shalt  }
0x59: {  	_ =	shalt  }
0x5a: {  	_ =	shalt  }
0x5b: {  	_ =	shalt  }
0x5c: {  	_ =	shalt  }
0x5d: {  	_ =	shalt  }
0x5e: {  	_ =	shalt  }
0x5f: {  	_ =	shalt  }
0x60: {  	_ =	shalt  }
0x61: {  	_ =	shalt  }
0x62: {  	_ =	shalt  }
0x63: {  	_ =	shalt  }
0x64: {  	_ =	shalt  }
0x65: {  	_ =	shalt  }
0x66: {  	_ =	shalt  }
0x67: {  	_ =	shalt  }
0x68: {  	_ =	shalt  }
0x69: {  	_ =	shalt  }
0x6a: {  	_ =	shalt  }
0x6b: {  	_ =	shalt  }
0x6c: {  	_ =	shalt  }
0x6d: {  	_ =	shalt  }
0x6e: {  	_ =	shalt  }
0x6f: {  	_ =	shalt  }
0x70: {  	_ =	shalt  }
0x71: {  	_ =	shalt  }
0x72: {  	_ =	shalt  }
0x73: {  	_ =	shalt  }
0x74: {  	_ =	shalt  }
0x75: {  	_ =	shalt  }
0x76: {  	_ =	shalt  }
0x77: {  	_ =	shalt  }
0x78: {  	_ =	shalt  }
0x79: {  	_ =	shalt  }
0x7a: {  	_ =	shalt  }
0x7b: {  	_ =	shalt  }
0x7c: {  	_ =	shalt  }
0x7d: {  	_ =	shalt  }
0x7e: {  	_ =	shalt  }
0x7f: {  	_ =	shalt  }
0x80: {  	_ =	shalt  }
0x81: {  	_ =	shalt  }
0x82: {  	_ =	shalt  }
0x83: {  	_ =	shalt  }
0x84: {  	_ =	shalt  }
0x85: {  	_ =	shalt  }
0x86: {  	_ =	shalt  }
0x87: {  	_ =	shalt  }
.Lfunc_end0:
.L_simem_size_0:
called_computation.1_lowered:
.L_overlay_start_0:
0x88: {  	s2 =	sld [smem:$0x3FD9]  }
0x89: {  	s3 =	sld [smem:$0x3FFE];
	_ =	sdelay $0x1  }
0x8a: {  	s1 =	srdreg.scid  }
0x8b: {  	s0 =	sand.u32 $0x1, s1  }
0x8c: {  	s16 =	sshll.u32 s0, $0xA;
	s2 =	sadd.s32 s3, s2  }
0x8d: {  	s2 =	sadd.s32 s2, s16  }
0x8e: {  	[smem:$0x3FBE] =	sst s2  }
0x8f: {  	_ = 	snop  }
0x90: {  	(tm) =	ssettm $0x1  }
0x91: {  	s17 =	sld [smem:$0x3FFB];
	_ =	sdelay $0x3  }
0x92: {  	_ =	strace s17  }
0x93: {  	s2 =	sld [smem:$0x3FFC];
	_ =	sdelay $0x3  }
0x94: {  	_ =	strace s2  }
0x95: {  	s2 =	sld [smem:$0x3FFD];
	_ =	sdelay $0x3  }
0x96: {  	_ =	strace s2  }
0x97: {  	_ =	strace $0x8FFFFFFF  }
0x98: {  	s18 =	sld [smem:$0x3FDB];
	_ =	sdelay $0x1  }
0x99: {  	s19 =	simm.s32 $_scs_section_size  }
0x9a: {  	s4 =	simm.s32 $_size__tile_overlayer_lowered;
	s5 =	simm.s32 $_tile_overlayer_lowered  }
0x9b: {  	s22 =	simm.s32 $0x1BFF;
	s21 =	sshll.u32 s5, $0x1;
	s2 =	sadd.s32 s19, s18  }
0x9c: {  	s6 =	simm.s32 $0x0;
	s20 =	sshll.u32 s4, $0x1;
	s4 =	sadd.s32 s21, s2  }
0x9d: {  	[timem:s6], [sflag:s22] =	dma.local [hbm:s4], s20  }
0x9e: {  	_ =	swait.ge [sflag:s22], s20  }
0x9f: {  	s3 =	ssub.s32 $0x0, s20;
	[sflag:s22] =	ssyncset.done $0x0  }
0xa0: {  	[sflag:s22] =	ssyncadd.s32 s3;
	_ =	sdelay $0x1  }
0xa1: {  	s23 =	simm.s32 $0x1B8B  }
0xa2: {  	_ =	swait.ge [sflag:s23], $0x1  }
0xa3: {  	[sflag:s23] =	ssyncset.done $0x0  }
0xa4: {  	s25 =	simm.s32 $0x1B8E;
	s24 =	sld [smem:$0x3FFE];
	[sflag:s23] =	ssyncadd.s32 $0xFFFFFFFF  }
0xa5: {  	s26 =	simm.s32 $execute0_lowered;
	[smem:$0x3FD2] =	sst s25  }
0xa6: {  	s4 =	sshll.u32 s26, $0x1;
	_ =	strace $0x80000049;
	[dreg:$0x1] =	wrdreg $0xFFFFFFFF  }
0xa7: {  	s28 =	simm.s32 $_size_execute0_lowered;
	s2 =	sadd.s32 s2, s4;
	[dreg:$0x0] =	wrdreg $0x0  }
0xa8: {  	s4 =	sshll.u32 s28, $0x1;
	[dreg:$0x2] =	wrdreg s2  }
0xa9: {  	[dreg:$0x3] =	wrdreg s4  }
0xaa: {  	[dreg:$0x4] =	wrdreg $0xC0  }
0xab: {  	_ =	task [dreg:s6], $0x5FFFF  }
0xac: {  	[dreg:$0x1] =	wrdreg $0xFFFFFFFF  }
0xad: {  	[dreg:$0x0] =	wrdreg $0x60  }
0xae: {  	[dreg:$0x2] =	wrdreg s24  }
0xaf: {  	[dreg:$0x3] =	wrdreg $0x14A000  }
0xb0: {  	[dreg:$0x4] =	wrdreg $0x9  }
0xb1: {  	_ =	task.clear_ibuf [dreg:s6], $0x5FFFF;
	_ =	strace $0x90000049  }
0xb2: {  	s29 =	simm.s32 $0x9;
	_ =	strace $0x8000004B  }
0xb3: {  	_ =	swait.ge [sflag:s29], $0x1  }
0xb4: {  	[sflag:s29] =	ssyncadd.s32 $0xFFFFFFFF  }
0xb5: {  	_ =	strace $0x9000004B  }
0xb6: {  	_ =	sfence  }
0xb7: {  	s30 =	sld [smem:$0x0];
	_ =	sdelay $0x2  }
0xb8: {  	s31 =	sshll.u32 s1, $0xD;
	s1 =	sshrl.u32 s1, $0x2  }
0xb9: {  	s3 =	sand.u32 $0x4000, s31;
	s1 =	sadd.s32 s1, s30  }
0xba: {  	s0 =	sor.u32 s3, s0;
	s1 =	sshll.u32 s1, $0x11  }
0xbb: {  	s0 =	sor.u32 s1, s0  }
0xbc: {  	s0 =	sadd.s32 $0x8F2B, s0  }
0xbd: {  	[sflag:s0] =	ssyncadd.remote.s32 $0x1  }
0xbe: {  	_ =	sfence.sel $0xFFFF  }
0xbf: {  	[dreg:$0x0] =	wrdreg $0xFFFFFFFF;
	(pc) =	sbr.abs _section_cstart, $3  }
0xc0: {  	[dreg:$0x1] =	wrdreg $0xFFFFFFFF  }
0xc1: {  	_ =	task.clear_ibuf [dreg:s6], $0x2FFFF;
	_ =	strace $0x9FFFFFFF  }
0xc2: {  	(tm) =	ssettm $0x7FFFFFFF  }
0xc3: {  	_ =	shalt  }
tec
execute0_lowered:
.L_overlay_start_1:
0x0: {  	(tag) =	ssettag $0x1  }
0x1: {  	s0 =	srdreg.scid;
	s3 =	rddreg [dreg:$0x0]  }
0x2: {  	s11 =	stileid.u32;
	s2 =	rddreg [dreg:$0x1];
	s4 =	simm.s32 $0x0  }
0x3: {  	s10 =	simm.s32 $0x9;
	s14 =	simm.s32 $0x7D;
	s15 =	simm.s32 $0x5000  }
0x4: {  	s16 =	simm.s32 $0x6F40;
	s17 =	simm.s32 $0x8E80;
	s18 =	simm.s32 $0xADC0  }
0x5: {  	s19 =	simm.s32 $0xCD00;
	s20 =	simm.s32 $0xEC40;
	s21 =	simm.s32 $0x10B80  }
0x6: {  	s22 =	simm.s32 $0x12AC0;
	s28 =	simm.s32 $0x5;
	s29 =	simm.s32 $0x6  }
0x7: {  	s30 =	simm.s32 $0x7;
	s31 =	simm.s32 $0x8;
	s0 =	sand.u32 $0x1, s0  }
0x8: {  	s5 =	smul.u32 $0xA000, s11;
	[smem:$0x7FF] =	sst s4;
	s4 =	sadd.s32 $0x16000, s3  }
0x9: {  	s26 =	sshll.u32 s11, $0x6;
	s1 =	sshll.u32 s0, $0x4;
	s6 =	smul.u32 $0xA0000, s0  }
0xa: {  	_ =	strace $0x8000004A;
	s0 =	ssub.s32 $0x2, s0;
	s12 =	sor.u32 $0x1C09, s26  }
0xb: {  	s26 =	simm.s32 $0x4;
	s1 =	sor.u32 s11, s1;
	s7 =	sshrl.u32 s5, $0x3  }
0xc: {  	s23 =	sshrl.u32 s0, $0x1;
	s25 =	sadd.s32 s5, s2;
	s1 =	smul.u32 $0x2800, s1  }
0xd: {  	s6 =	sadd.s32 s5, s6;
	s7 =	sadd.s32 s7, s3;
	s0 =	ssub.s32 s0, s23  }
0xe: {  	s13 =	sshrl.u32 s25, $0x3;
	s23 =	simm.s32 $0x1;
	s25 =	simm.s32 $0x3  }
0xf: {  	s6 =	sshrl.u32 s6, $0x3;
	s7 =	sadd.s32 $0x29A00, s7;
	s1 =	sshrl.u32 s1, $0x3  }
0x10: {  	s9 =	smax.u32 s0, $0x1;
	s1 =	sadd.s32 s1, s3;
	s3 =	sadd.s32 s6, s3  }
0x11: {  	s24 =	sadd.s32 $0x2000, s1;
	s6 =	sadd.s32 $0xC000, s1;
	s8 =	sadd.s32 $0x3DA00, s3  }
0x12: {  	s1 =	simm.s32 $0x0;
	[dreg:$0x3] =	wrdreg s24;
	s24 =	simm.s32 $0x2  }
.LBB2_1:
0x13: {  	s0 =	simm.s32 $0x0;
	s3 =	rddreg [dreg:$0x3]  }
0x14: {  	[tilespmem:s0], [sflag:$0x9] =	stream.linear.gather [hbm4b:s3+s0], $0x2800, $0x38;
	[tilespmem:$0x1EA00] =	vst v63  }
0x15: {  	_ =	swait.ge [sflag:s10], $0x2800  }
0x16: {  	[sflag:s10] =	ssyncset.done $0x0  }
0x17: {  	s5 =	simm.s32 $0x2800;
	[sflag:s10] =	ssyncadd.s32 $0xFFFFD800  }
0x18: {  	[tilespmem:s5], [sflag:$0x9] =	stream.linear.gather [hbm4b:s6+s0], $0x2800, $0x38;
	[tilespmem:$0x1EA00] =	vst v63  }
0x19: {  	_ =	swait.ge [sflag:s10], $0x2800  }
0x1a: {  	[sflag:s10] =	ssyncset.done $0x0  }
0x1b: {  	[sflag:s10] =	ssyncadd.s32 $0xFFFFD800  }
0x1c: {  	[spmem:s13], [sflag:s12] =	dma.local [hbm:s7], $0x1400  }
0x1d: {  	_ =	swait.ge [sflag:s10], $0x1400  }
0x1e: {  	[sflag:s10] =	ssyncset.done $0x0  }
0x1f: {  	[sflag:s10] =	ssyncadd.s32 $0xFFFFEC00  }
0x20: {  	s11 =	simm.s32 $0x0;
	[bflag:$0x0] =	sbarrier.arrive $0xFFFF  }
0x21: {  	[tilespmem:s15], [sflag:$0x1] =	stream.indirect.gather [hbm4b:s4+s14], $0x40, s11, s14, $0xb8;
	[tilespmem:$0x1EA00] =	vst v63  }
0x22: {  	s3 =	simm.s32 $0x80  }
0x23: {  	[tilespmem:s16], [sflag:$0x2] =	stream.indirect.gather [hbm4b:s4+s14], $0x40, s3, s14, $0xb8;
	[tilespmem:$0x1EA00] =	vst v63  }
0x24: {  	s5 =	simm.s32 $0x100  }
0x25: {  	[tilespmem:s17], [sflag:$0x3] =	stream.indirect.gather [hbm4b:s4+s14], $0x40, s5, s14, $0xb8;
	[tilespmem:$0x1EA00] =	vst v63  }
0x26: {  	s11 =	simm.s32 $0x180  }
0x27: {  	[tilespmem:s18], [sflag:$0x4] =	stream.indirect.gather [hbm4b:s4+s14], $0x40, s11, s14, $0xb8;
	[tilespmem:$0x1EA00] =	vst v63  }
0x28: {  	s3 =	simm.s32 $0x200  }
0x29: {  	[tilespmem:s19], [sflag:$0x5] =	stream.indirect.gather [hbm4b:s4+s14], $0x40, s3, s14, $0xb8;
	[tilespmem:$0x1EA00] =	vst v63  }
0x2a: {  	s5 =	simm.s32 $0x280  }
0x2b: {  	[tilespmem:s20], [sflag:$0x6] =	stream.indirect.gather [hbm4b:s4+s14], $0x40, s5, s14, $0xb8;
	[tilespmem:$0x1EA00] =	vst v63  }
0x2c: {  	s11 =	simm.s32 $0x300  }
0x2d: {  	[tilespmem:s21], [sflag:$0x7] =	stream.indirect.gather [hbm4b:s4+s14], $0x40, s11, s14, $0xb8;
	[tilespmem:$0x1EA00] =	vst v63  }
0x2e: {  	s3 =	simm.s32 $0x380  }
0x2f: {  	[tilespmem:s22], [sflag:$0x8] =	stream.indirect.gather [hbm4b:s4+s14], $0x40, s3, s14, $0xb8;
	[tilespmem:$0x1EA00] =	vst v63  }
0x30: {  	_ =	swait.ge [sflag:s23], $0x1F40  }
0x31: {  	[sflag:s23] =	ssyncset.done $0x0  }
0x32: {  	s5 =	simm.s32 $0x2800;
	[sflag:s23] =	ssyncadd.s32 $0xFFFFE0C0  }
0x33: {  	[spmem:s2] =	stream.indirect.scatter.add.f32 [tilespmem:s15], [sflag:$0x9], $0x40, s5, s14, $0xb8;
	[tilespmem:$0x1EA00] =	vst v63  }
0x34: {  	_ =	swait.ge [sflag:s10], $0x1F40  }
0x35: {  	[sflag:s10] =	ssyncset.done $0x0  }
0x36: {  	[sflag:s10] =	ssyncadd.s32 $0xFFFFE0C0  }
0x37: {  	_ =	swait.ge [sflag:s24], $0x1F40  }
0x38: {  	[sflag:s24] =	ssyncset.done $0x0  }
0x39: {  	s11 =	simm.s32 $0x2880;
	[sflag:s24] =	ssyncadd.s32 $0xFFFFE0C0  }
0x3a: {  	[spmem:s2] =	stream.indirect.scatter.add.f32 [tilespmem:s16], [sflag:$0x9], $0x40, s11, s14, $0xb8;
	[tilespmem:$0x1EA00] =	vst v63  }
0x3b: {  	_ =	swait.ge [sflag:s10], $0x1F40  }
0x3c: {  	[sflag:s10] =	ssyncset.done $0x0  }
0x3d: {  	[sflag:s10] =	ssyncadd.s32 $0xFFFFE0C0  }
0x3e: {  	_ =	swait.ge [sflag:s25], $0x1F40  }
0x3f: {  	[sflag:s25] =	ssyncset.done $0x0  }
0x40: {  	s3 =	simm.s32 $0x2900;
	[sflag:s25] =	ssyncadd.s32 $0xFFFFE0C0  }
0x41: {  	[spmem:s2] =	stream.indirect.scatter.add.f32 [tilespmem:s17], [sflag:$0x9], $0x40, s3, s14, $0xb8;
	[tilespmem:$0x1EA00] =	vst v63  }
0x42: {  	_ =	swait.ge [sflag:s10], $0x1F40  }
0x43: {  	[sflag:s10] =	ssyncset.done $0x0  }
0x44: {  	[sflag:s10] =	ssyncadd.s32 $0xFFFFE0C0  }
0x45: {  	_ =	swait.ge [sflag:s26], $0x1F40  }
0x46: {  	[sflag:s26] =	ssyncset.done $0x0  }
0x47: {  	s5 =	simm.s32 $0x2980;
	[sflag:s26] =	ssyncadd.s32 $0xFFFFE0C0  }
0x48: {  	[spmem:s2] =	stream.indirect.scatter.add.f32 [tilespmem:s18], [sflag:$0x9], $0x40, s5, s14, $0xb8;
	[tilespmem:$0x1EA00] =	vst v63  }
0x49: {  	_ =	swait.ge [sflag:s10], $0x1F40  }
0x4a: {  	[sflag:s10] =	ssyncset.done $0x0  }
0x4b: {  	[sflag:s10] =	ssyncadd.s32 $0xFFFFE0C0  }
0x4c: {  	_ =	swait.ge [sflag:s28], $0x1F40  }
0x4d: {  	[sflag:s28] =	ssyncset.done $0x0  }
0x4e: {  	s11 =	simm.s32 $0x2A00;
	[sflag:s28] =	ssyncadd.s32 $0xFFFFE0C0  }
0x4f: {  	[spmem:s2] =	stream.indirect.scatter.add.f32 [tilespmem:s19], [sflag:$0x9], $0x40, s11, s14, $0xb8;
	[tilespmem:$0x1EA00] =	vst v63  }
0x50: {  	_ =	swait.ge [sflag:s10], $0x1F40  }
0x51: {  	[sflag:s10] =	ssyncset.done $0x0  }
0x52: {  	[sflag:s10] =	ssyncadd.s32 $0xFFFFE0C0  }
0x53: {  	_ =	swait.ge [sflag:s29], $0x1F40  }
0x54: {  	[sflag:s29] =	ssyncset.done $0x0  }
0x55: {  	s3 =	simm.s32 $0x2A80;
	[sflag:s29] =	ssyncadd.s32 $0xFFFFE0C0  }
0x56: {  	[spmem:s2] =	stream.indirect.scatter.add.f32 [tilespmem:s20], [sflag:$0x9], $0x40, s3, s14, $0xb8;
	[tilespmem:$0x1EA00] =	vst v63  }
0x57: {  	_ =	swait.ge [sflag:s10], $0x1F40  }
0x58: {  	[sflag:s10] =	ssyncset.done $0x0  }
0x59: {  	[sflag:s10] =	ssyncadd.s32 $0xFFFFE0C0  }
0x5a: {  	_ =	swait.ge [sflag:s30], $0x1F40  }
0x5b: {  	[sflag:s30] =	ssyncset.done $0x0  }
0x5c: {  	s5 =	simm.s32 $0x2B00;
	[sflag:s30] =	ssyncadd.s32 $0xFFFFE0C0  }
0x5d: {  	[spmem:s2] =	stream.indirect.scatter.add.f32 [tilespmem:s21], [sflag:$0x9], $0x40, s5, s14, $0xb8;
	[tilespmem:$0x1EA00] =	vst v63  }
0x5e: {  	_ =	swait.ge [sflag:s10], $0x1F40  }
0x5f: {  	[sflag:s10] =	ssyncset.done $0x0  }
0x60: {  	[sflag:s10] =	ssyncadd.s32 $0xFFFFE0C0  }
0x61: {  	_ =	swait.ge [sflag:s31], $0x1F40  }
0x62: {  	[sflag:s31] =	ssyncset.done $0x0  }
0x63: {  	s11 =	simm.s32 $0x2B80;
	[sflag:s31] =	ssyncadd.s32 $0xFFFFE0C0  }
0x64: {  	[spmem:s2] =	stream.indirect.scatter.add.f32 [tilespmem:s22], [sflag:$0x9], $0x40, s11, s14, $0xb8;
	[tilespmem:$0x1EA00] =	vst v63  }
0x65: {  	_ =	swait.ge [sflag:s10], $0x1F40  }
0x66: {  	s0 =	simm.s32 $0x1000;
	s11 =	simm.s32 $0x2000;
	[sflag:s10] =	ssyncset.done $0x0  }
.LBB2_2:
0x67: {  	s3 =	sshra.s32 s0, $0x2  }
0x68: {  	[sflag:s10] =	ssyncadd.s32 $0xFFFFE0C0;
	s0 =	smov.u32 s11;
	s5 =	sadd.s32 $0x1000, s11  }
0x69: {  	[tilespmem:s15], [sflag:$0x1] =	stream.indirect.gather [hbm4b:s4+s14], $0x40, s3, s14, $0xb8;
	[tilespmem:$0x1EA00] =	vst v63  }
0x6a: {  	p0 =	sne.s32 s11, $0x9000;
	s11 =	sadd.s32 $0x80, s3  }
0x6b: {  	[tilespmem:s16], [sflag:$0x2] =	stream.indirect.gather [hbm4b:s4+s14], $0x40, s11, s14, $0xb8;
	[tilespmem:$0x1EA00] =	vst v63  }
0x6c: {  	s11 =	sadd.s32 $0x100, s3  }
0x6d: {  	[tilespmem:s17], [sflag:$0x3] =	stream.indirect.gather [hbm4b:s4+s14], $0x40, s11, s14, $0xb8;
	[tilespmem:$0x1EA00] =	vst v63  }
0x6e: {  	s11 =	sadd.s32 $0x180, s3  }
0x6f: {  	[tilespmem:s18], [sflag:$0x4] =	stream.indirect.gather [hbm4b:s4+s14], $0x40, s11, s14, $0xb8;
	[tilespmem:$0x1EA00] =	vst v63  }
0x70: {  	s11 =	sadd.s32 $0x200, s3  }
0x71: {  	[tilespmem:s19], [sflag:$0x5] =	stream.indirect.gather [hbm4b:s4+s14], $0x40, s11, s14, $0xb8;
	[tilespmem:$0x1EA00] =	vst v63  }
0x72: {  	s11 =	sadd.s32 $0x280, s3  }
0x73: {  	[tilespmem:s20], [sflag:$0x6] =	stream.indirect.gather [hbm4b:s4+s14], $0x40, s11, s14, $0xb8;
	[tilespmem:$0x1EA00] =	vst v63  }
0x74: {  	s11 =	sadd.s32 $0x300, s3  }
0x75: {  	[tilespmem:s21], [sflag:$0x7] =	stream.indirect.gather [hbm4b:s4+s14], $0x40, s11, s14, $0xb8;
	[tilespmem:$0x1EA00] =	vst v63  }
0x76: {  	s11 =	sadd.s32 $0x380, s3  }
0x77: {  	[tilespmem:s22], [sflag:$0x8] =	stream.indirect.gather [hbm4b:s4+s14], $0x40, s11, s14, $0xb8;
	[tilespmem:$0x1EA00] =	vst v63  }
0x78: {  	_ =	swait.ge [sflag:s23], $0x1F40  }
0x79: {  	[sflag:s23] =	ssyncset.done $0x0  }
0x7a: {  	s11 =	sadd.s32 $0x2800, s3;
	[sflag:s23] =	ssyncadd.s32 $0xFFFFE0C0  }
0x7b: {  	[spmem:s2] =	stream.indirect.scatter.add.f32 [tilespmem:s15], [sflag:$0x9], $0x40, s11, s14, $0xb8;
	[tilespmem:$0x1EA00] =	vst v63  }
0x7c: {  	_ =	swait.ge [sflag:s10], $0x1F40  }
0x7d: {  	[sflag:s10] =	ssyncset.done $0x0  }
0x7e: {  	[sflag:s10] =	ssyncadd.s32 $0xFFFFE0C0  }
0x7f: {  	_ =	swait.ge [sflag:s24], $0x1F40  }
0x80: {  	[sflag:s24] =	ssyncset.done $0x0  }
0x81: {  	s11 =	sadd.s32 $0x2880, s3;
	[sflag:s24] =	ssyncadd.s32 $0xFFFFE0C0  }
0x82: {  	[spmem:s2] =	stream.indirect.scatter.add.f32 [tilespmem:s16], [sflag:$0x9], $0x40, s11, s14, $0xb8;
	[tilespmem:$0x1EA00] =	vst v63  }
0x83: {  	_ =	swait.ge [sflag:s10], $0x1F40  }
0x84: {  	[sflag:s10] =	ssyncset.done $0x0  }
0x85: {  	[sflag:s10] =	ssyncadd.s32 $0xFFFFE0C0  }
0x86: {  	_ =	swait.ge [sflag:s25], $0x1F40  }
0x87: {  	[sflag:s25] =	ssyncset.done $0x0  }
0x88: {  	s11 =	sadd.s32 $0x2900, s3;
	[sflag:s25] =	ssyncadd.s32 $0xFFFFE0C0  }
0x89: {  	[spmem:s2] =	stream.indirect.scatter.add.f32 [tilespmem:s17], [sflag:$0x9], $0x40, s11, s14, $0xb8;
	[tilespmem:$0x1EA00] =	vst v63  }
0x8a: {  	_ =	swait.ge [sflag:s10], $0x1F40  }
0x8b: {  	[sflag:s10] =	ssyncset.done $0x0  }
0x8c: {  	[sflag:s10] =	ssyncadd.s32 $0xFFFFE0C0  }
0x8d: {  	_ =	swait.ge [sflag:s26], $0x1F40  }
0x8e: {  	[sflag:s26] =	ssyncset.done $0x0  }
0x8f: {  	s11 =	sadd.s32 $0x2980, s3;
	[sflag:s26] =	ssyncadd.s32 $0xFFFFE0C0  }
0x90: {  	[spmem:s2] =	stream.indirect.scatter.add.f32 [tilespmem:s18], [sflag:$0x9], $0x40, s11, s14, $0xb8;
	[tilespmem:$0x1EA00] =	vst v63  }
0x91: {  	_ =	swait.ge [sflag:s10], $0x1F40  }
0x92: {  	[sflag:s10] =	ssyncset.done $0x0  }
0x93: {  	[sflag:s10] =	ssyncadd.s32 $0xFFFFE0C0  }
0x94: {  	_ =	swait.ge [sflag:s28], $0x1F40  }
0x95: {  	[sflag:s28] =	ssyncset.done $0x0  }
0x96: {  	s11 =	sadd.s32 $0x2A00, s3;
	[sflag:s28] =	ssyncadd.s32 $0xFFFFE0C0  }
0x97: {  	[spmem:s2] =	stream.indirect.scatter.add.f32 [tilespmem:s19], [sflag:$0x9], $0x40, s11, s14, $0xb8;
	[tilespmem:$0x1EA00] =	vst v63  }
0x98: {  	_ =	swait.ge [sflag:s10], $0x1F40  }
0x99: {  	[sflag:s10] =	ssyncset.done $0x0  }
0x9a: {  	[sflag:s10] =	ssyncadd.s32 $0xFFFFE0C0  }
0x9b: {  	_ =	swait.ge [sflag:s29], $0x1F40  }
0x9c: {  	[sflag:s29] =	ssyncset.done $0x0  }
0x9d: {  	s11 =	sadd.s32 $0x2A80, s3;
	[sflag:s29] =	ssyncadd.s32 $0xFFFFE0C0  }
0x9e: {  	[spmem:s2] =	stream.indirect.scatter.add.f32 [tilespmem:s20], [sflag:$0x9], $0x40, s11, s14, $0xb8;
	[tilespmem:$0x1EA00] =	vst v63  }
0x9f: {  	_ =	swait.ge [sflag:s10], $0x1F40  }
0xa0: {  	[sflag:s10] =	ssyncset.done $0x0  }
0xa1: {  	[sflag:s10] =	ssyncadd.s32 $0xFFFFE0C0  }
0xa2: {  	_ =	swait.ge [sflag:s30], $0x1F40  }
0xa3: {  	[sflag:s30] =	ssyncset.done $0x0  }
0xa4: {  	s11 =	sadd.s32 $0x2B00, s3;
	[sflag:s30] =	ssyncadd.s32 $0xFFFFE0C0  }
0xa5: {  	[spmem:s2] =	stream.indirect.scatter.add.f32 [tilespmem:s21], [sflag:$0x9], $0x40, s11, s14, $0xb8;
	[tilespmem:$0x1EA00] =	vst v63  }
0xa6: {  	_ =	swait.ge [sflag:s10], $0x1F40  }
0xa7: {  	[sflag:s10] =	ssyncset.done $0x0  }
0xa8: {  	[sflag:s10] =	ssyncadd.s32 $0xFFFFE0C0  }
0xa9: {  	_ =	swait.ge [sflag:s31], $0x1F40  }
.Ltmp0:
0xaa: {  	[sflag:s31] =	ssyncset.done $0x0;
	(pc) =	sbr.rel @p0 .LBB2_2-.Ltmp0, $4  }
0xab: {  	s3 =	sadd.s32 $0x2B80, s3;
	[sflag:s31] =	ssyncadd.s32 $0xFFFFE0C0  }
0xac: {  	[spmem:s2] =	stream.indirect.scatter.add.f32 [tilespmem:s22], [sflag:$0x9], $0x40, s3, s14, $0xb8;
	[tilespmem:$0x1EA00] =	vst v63  }
0xad: {  	_ =	swait.ge [sflag:s10], $0x1F40  }
0xae: {  	s11 =	smov.u32 s5;
	[sflag:s10] =	ssyncset.done $0x0  }
0xaf: {  	s0 =	sshra.s32 s0, $0x2;
	[sflag:s10] =	ssyncadd.s32 $0xFFFFE0C0  }
0xb0: {  	[tilespmem:s15], [sflag:$0x1] =	stream.indirect.gather [hbm4b:s4+s14], $0x40, s0, s14, $0xb8;
	[tilespmem:$0x1EA00] =	vst v63  }
0xb1: {  	s3 =	sadd.s32 $0x80, s0  }
0xb2: {  	[tilespmem:s16], [sflag:$0x2] =	stream.indirect.gather [hbm4b:s4+s14], $0x40, s3, s14, $0xb8;
	[tilespmem:$0x1EA00] =	vst v63  }
0xb3: {  	s11 =	sadd.s32 $0x100, s0  }
0xb4: {  	[tilespmem:s17], [sflag:$0x3] =	stream.indirect.gather [hbm4b:s4+s14], $0x40, s11, s14, $0xb8;
	[tilespmem:$0x1EA00] =	vst v63  }
0xb5: {  	s5 =	sadd.s32 $0x180, s0  }
0xb6: {  	[tilespmem:s18], [sflag:$0x4] =	stream.indirect.gather [hbm4b:s4+s14], $0x40, s5, s14, $0xb8;
	[tilespmem:$0x1EA00] =	vst v63  }
0xb7: {  	s11 =	sadd.s32 $0x200, s0  }
0xb8: {  	[tilespmem:s19], [sflag:$0x5] =	stream.indirect.gather [hbm4b:s4+s14], $0x40, s11, s14, $0xb8;
	[tilespmem:$0x1EA00] =	vst v63  }
0xb9: {  	s5 =	sadd.s32 $0x280, s0  }
0xba: {  	[tilespmem:s20], [sflag:$0x6] =	stream.indirect.gather [hbm4b:s4+s14], $0x40, s5, s14, $0xb8;
	[tilespmem:$0x1EA00] =	vst v63  }
0xbb: {  	s11 =	sadd.s32 $0x300, s0  }
0xbc: {  	[tilespmem:s21], [sflag:$0x7] =	stream.indirect.gather [hbm4b:s4+s14], $0x40, s11, s14, $0xb8;
	[tilespmem:$0x1EA00] =	vst v63  }
0xbd: {  	s5 =	sadd.s32 $0x380, s0  }
0xbe: {  	[tilespmem:s22], [sflag:$0x8] =	stream.indirect.gather [hbm4b:s4+s14], $0x40, s5, s14, $0xb8;
	[tilespmem:$0x1EA00] =	vst v63  }
0xbf: {  	_ =	swait.ge [sflag:s23], $0x1F40  }
0xc0: {  	[sflag:s23] =	ssyncset.done $0x0  }
0xc1: {  	s11 =	sadd.s32 $0x2800, s0;
	[sflag:s23] =	ssyncadd.s32 $0xFFFFE0C0  }
0xc2: {  	[spmem:s2] =	stream.indirect.scatter.add.f32 [tilespmem:s15], [sflag:$0x9], $0x40, s11, s14, $0xb8;
	[tilespmem:$0x1EA00] =	vst v63  }
0xc3: {  	_ =	swait.ge [sflag:s10], $0x1F40  }
0xc4: {  	[sflag:s10] =	ssyncset.done $0x0  }
0xc5: {  	[sflag:s10] =	ssyncadd.s32 $0xFFFFE0C0  }
0xc6: {  	_ =	swait.ge [sflag:s24], $0x1F40  }
0xc7: {  	[sflag:s24] =	ssyncset.done $0x0  }
0xc8: {  	s5 =	sadd.s32 $0x2880, s0;
	[sflag:s24] =	ssyncadd.s32 $0xFFFFE0C0  }
0xc9: {  	[spmem:s2] =	stream.indirect.scatter.add.f32 [tilespmem:s16], [sflag:$0x9], $0x40, s5, s14, $0xb8;
	[tilespmem:$0x1EA00] =	vst v63  }
0xca: {  	_ =	swait.ge [sflag:s10], $0x1F40  }
0xcb: {  	[sflag:s10] =	ssyncset.done $0x0  }
0xcc: {  	[sflag:s10] =	ssyncadd.s32 $0xFFFFE0C0  }
0xcd: {  	_ =	swait.ge [sflag:s25], $0x1F40  }
0xce: {  	[sflag:s25] =	ssyncset.done $0x0  }
0xcf: {  	s11 =	sadd.s32 $0x2900, s0;
	[sflag:s25] =	ssyncadd.s32 $0xFFFFE0C0  }
0xd0: {  	[spmem:s2] =	stream.indirect.scatter.add.f32 [tilespmem:s17], [sflag:$0x9], $0x40, s11, s14, $0xb8;
	[tilespmem:$0x1EA00] =	vst v63  }
0xd1: {  	_ =	swait.ge [sflag:s10], $0x1F40  }
0xd2: {  	[sflag:s10] =	ssyncset.done $0x0  }
0xd3: {  	[sflag:s10] =	ssyncadd.s32 $0xFFFFE0C0  }
0xd4: {  	_ =	swait.ge [sflag:s26], $0x1F40  }
0xd5: {  	[sflag:s26] =	ssyncset.done $0x0  }
0xd6: {  	s5 =	sadd.s32 $0x2980, s0;
	[sflag:s26] =	ssyncadd.s32 $0xFFFFE0C0  }
0xd7: {  	[spmem:s2] =	stream.indirect.scatter.add.f32 [tilespmem:s18], [sflag:$0x9], $0x40, s5, s14, $0xb8;
	[tilespmem:$0x1EA00] =	vst v63  }
0xd8: {  	_ =	swait.ge [sflag:s10], $0x1F40  }
0xd9: {  	[sflag:s10] =	ssyncset.done $0x0  }
0xda: {  	[sflag:s10] =	ssyncadd.s32 $0xFFFFE0C0  }
0xdb: {  	_ =	swait.ge [sflag:s28], $0x1F40  }
0xdc: {  	[sflag:s28] =	ssyncset.done $0x0  }
0xdd: {  	s11 =	sadd.s32 $0x2A00, s0;
	[sflag:s28] =	ssyncadd.s32 $0xFFFFE0C0  }
0xde: {  	[spmem:s2] =	stream.indirect.scatter.add.f32 [tilespmem:s19], [sflag:$0x9], $0x40, s11, s14, $0xb8;
	[tilespmem:$0x1EA00] =	vst v63  }
0xdf: {  	_ =	swait.ge [sflag:s10], $0x1F40  }
0xe0: {  	[sflag:s10] =	ssyncset.done $0x0  }
0xe1: {  	[sflag:s10] =	ssyncadd.s32 $0xFFFFE0C0  }
0xe2: {  	_ =	swait.ge [sflag:s29], $0x1F40  }
0xe3: {  	[sflag:s29] =	ssyncset.done $0x0  }
0xe4: {  	s5 =	sadd.s32 $0x2A80, s0;
	[sflag:s29] =	ssyncadd.s32 $0xFFFFE0C0  }
0xe5: {  	[spmem:s2] =	stream.indirect.scatter.add.f32 [tilespmem:s20], [sflag:$0x9], $0x40, s5, s14, $0xb8;
	[tilespmem:$0x1EA00] =	vst v63  }
0xe6: {  	_ =	swait.ge [sflag:s10], $0x1F40  }
0xe7: {  	[sflag:s10] =	ssyncset.done $0x0  }
0xe8: {  	[sflag:s10] =	ssyncadd.s32 $0xFFFFE0C0  }
0xe9: {  	_ =	swait.ge [sflag:s30], $0x1F40  }
0xea: {  	[sflag:s30] =	ssyncset.done $0x0  }
0xeb: {  	s11 =	sadd.s32 $0x2B00, s0;
	[sflag:s30] =	ssyncadd.s32 $0xFFFFE0C0  }
0xec: {  	[spmem:s2] =	stream.indirect.scatter.add.f32 [tilespmem:s21], [sflag:$0x9], $0x40, s11, s14, $0xb8;
	[tilespmem:$0x1EA00] =	vst v63  }
0xed: {  	_ =	swait.ge [sflag:s10], $0x1F40  }
0xee: {  	[sflag:s10] =	ssyncset.done $0x0  }
0xef: {  	[sflag:s10] =	ssyncadd.s32 $0xFFFFE0C0  }
0xf0: {  	_ =	swait.ge [sflag:s31], $0x1F40  }
0xf1: {  	[sflag:s31] =	ssyncset.done $0x0  }
0xf2: {  	s0 =	sadd.s32 $0x2B80, s0;
	[sflag:s31] =	ssyncadd.s32 $0xFFFFE0C0  }
0xf3: {  	[spmem:s2] =	stream.indirect.scatter.add.f32 [tilespmem:s22], [sflag:$0x9], $0x40, s0, s14, $0xb8;
	[tilespmem:$0x1EA00] =	vst v63  }
0xf4: {  	_ =	swait.ge [sflag:s10], $0x1F40  }
0xf5: {  	s1 =	sadd.s32 $0x1, s1;
	[sflag:s10] =	ssyncset.done $0x0  }
0xf6: {  	p0 =	sne.s32 s1, s9;
	[sflag:s10] =	ssyncadd.s32 $0xFFFFE0C0  }
.Ltmp1:
0xf7: {  	[bflag:$0x0] =	sbarrier.arrive $0xFFFF;
	(pc) =	sbr.rel @p0 .LBB2_1-.Ltmp1, $4  }
0xf8: {  	[hbm:s8], [sflag:s12] =	dma.local [spmem:s13], $0x1400  }
0xf9: {  	_ =	swait.ge [sflag:s10], $0x1400  }
0xfa: {  	[sflag:s10] =	ssyncset.done $0x0  }
0xfb: {  	[sflag:s10] =	ssyncadd.s32 $0xFFFFEC00  }
0xfc: {  	_ =	sfence.sel $0x180000  }
0xfd: {  	[bflag:$0x0] =	sbarrier.arrive $0xFFFF  }
0xfe: {  	_ =	strace $0x9000004A  }
0xff: {  	s0 =	stileid.u32;
	[bflag:$0x2] =	sbarrier.arrive $0xFFFF  }
0x100: {  	p0 =	sne.s32 s0, $0x0;
	s0 =	rddreg [dreg:$0x2]  }
0x101: {  	s0 =	sadd.s32 @!p0 $0x100000, s0  }
0x102: {  	[sflag:s0] =	ssyncadd.tile.s32 @!p0 $0x1;
	_ =	shalt  }
.Lfunc_end2:
_tile_overlayer_lowered:
.L_overlay_start_2:
0x103: {  	(tag) =	ssettag $0x2  }
0x104: {  	s0 =	rddreg [dreg:$0x0];
	s2 =	stileid.u32  }
0x105: {  	s1 =	rddreg [dreg:$0x1];
	p0 =	sne.s32 s2, $0x0  }
0x106: {  	s3 =	rddreg [dreg:$0x2];
	[bflag:$0x3] =	sbarrier.arrive $0xFFFF;
	s2 =	simm.s32 @!p0 $0x1C09  }
0x107: {  	[timem:s3], [sflag:s2] =	dma.local @!p0 [hbm:s0], s1  }
0x108: {  	s0 =	simm.s32 @!p0 $0x9  }
0x109: {  	_ =	swait.ge @!p0 [sflag:s0], s1  }
0x10a: {  	s1 =	ssub.s32 @!p0 $0x0, s1;
	[sflag:s0] =	ssyncset.done @!p0 $0x0  }
0x10b: {  	[sflag:s0] =	ssyncadd.s32 @!p0 s1  }
0x10c: {  	[bflag:$0x3] =	sbarrier.arrive $0xFFFF  }
0x10d: {  	_ =	shalt  }

</sc_bundles>
